<compile_context>
chip_gen: v7x
topology: tpu7x:2x2x1
jax: 0.10.2.dev20260603
libtpu: 0.0.44.dev20260713+nightly
codegen_flags: <defaults>
</compile_context>

<pallas_src>
import functools

import jax
import jax.numpy as jnp
from jax import lax
from jax.experimental import pallas as pl
from jax.experimental.pallas import tpu as pltpu
from jax.experimental.pallas import tpu_sc as plsc

NUM_CORES = 2
NUM_SUBCORES = 16
NUM_WORKERS = NUM_CORES * NUM_SUBCORES

CHUNK = 512
OCT = 8


def _sc_gather(table, idx_flat):
    B = idx_flat.shape[0]
    D = table.shape[1]
    rows_per_w = B // NUM_WORKERS
    chunks_per_w = rows_per_w // CHUNK
    nquads = chunks_per_w // 4
    nocts = chunks_per_w // OCT
    assert rows_per_w % (CHUNK * OCT) == 0

    mesh = plsc.VectorSubcoreMesh(core_axis_name="c", subcore_axis_name="s")

    @functools.partial(
        pl.kernel,
        out_type=jax.ShapeDtypeStruct((B, D), jnp.float32),
        mesh=mesh,
        compiler_params=pltpu.CompilerParams(
            use_tc_tiling_on_sc=False, needs_layout_passes=False
        ),
        scratch_types=[
            pltpu.VMEM((2, OCT * CHUNK), jnp.int32),
            pltpu.VMEM((4, CHUNK, D), jnp.float32),
            pltpu.SemaphoreType.DMA,
            pltpu.SemaphoreType.DMA,
            pltpu.SemaphoreType.DMA,
            pltpu.SemaphoreType.DMA,
            pltpu.SemaphoreType.DMA,
            pltpu.SemaphoreType.DMA,
            pltpu.SemaphoreType.DMA,
            pltpu.SemaphoreType.DMA,
            pltpu.SemaphoreType.DMA,
        ],
    )
    def k(table_hbm, idx_hbm, out_hbm, idx_v, rows_v,
          isem, g0, g1, g2, g3, s0, s1, s2, s3):
        gsem = (g0, g1, g2, g3)
        ssem = (s0, s1, s2, s3)
        wid = lax.axis_index("s") * NUM_CORES + lax.axis_index("c")
        row0 = wid * rows_per_w

        def fire_idx_load(o, islot):
            base = pl.multiple_of(row0 + o * OCT * CHUNK, CHUNK)
            pltpu.async_copy(
                idx_hbm.at[pl.ds(base, OCT * CHUNK)], idx_v.at[islot], isem
            )

        def drain_idx_load(islot):
            pltpu.make_async_copy(
                idx_hbm.at[pl.ds(0, OCT * CHUNK)], idx_v.at[islot], isem
            ).wait()

        def fire_gather(islot, orow, b, sem):
            pltpu.async_copy(
                table_hbm.at[idx_v.at[islot, pl.ds(orow * CHUNK, CHUNK)]],
                rows_v.at[b],
                sem,
            )

        def drain_gather(b, sem):
            pltpu.make_async_copy(
                table_hbm.at[pl.ds(0, CHUNK)], rows_v.at[b], sem
            ).wait()

        def fire_store(c, b, sem):
            base = pl.multiple_of(row0 + c * CHUNK, CHUNK)
            pltpu.async_copy(rows_v.at[b], out_hbm.at[pl.ds(base, CHUNK)], sem)

        def drain_store(b, sem):
            pltpu.make_async_copy(
                rows_v.at[b], out_hbm.at[pl.ds(0, CHUNK)], sem
            ).wait()

        fire_idx_load(0, 0)
        drain_idx_load(0)

        def quad(q, carry):
            o = q // 2
            islot = lax.rem(o, 2)
            qh = lax.rem(q, 2)
            even_q = qh == 0
            for b in range(4):
                c = 4 * q + b
                orow = 4 * qh + b

                if b == 0:

                    @pl.when(jnp.logical_and(even_q, q > 0))
                    def _():
                        drain_idx_load(islot)

                @pl.when(q >= 1)
                def _():
                    drain_store(b, ssem[b])

                fire_gather(islot, orow, b, gsem[b])

                if b == 2:

                    @pl.when(jnp.logical_and(even_q, o + 1 < nocts))
                    def _():
                        fire_idx_load(o + 1, 1 - islot)

                bl = (b + 2) % 4
                if b >= 2:
                    drain_gather(bl, gsem[bl])
                    fire_store(c - 2, bl, ssem[bl])
                else:

                    @pl.when(q >= 1)
                    def _():
                        drain_gather(bl, gsem[bl])
                        fire_store(c - 2, bl, ssem[bl])

            return carry

        lax.fori_loop(0, nquads, quad, 0)

        last = chunks_per_w
        for (c, b) in ((last - 2, 2), (last - 1, 3)):
            drain_gather(b, gsem[b])
            fire_store(c, b, ssem[b])
        for b in range(4):
            drain_store(b, ssem[b])

    return k(table, idx_flat)


def kernel(indices, weight):
    B = indices.shape[0] * indices.shape[1]
    idx_flat = indices.reshape(B).astype(jnp.int32)
    out = _sc_gather(weight, idx_flat)
    return out.reshape(indices.shape + (weight.shape[1],))

# --- scband reference (transcript-rebuilt; emitter-appended) ---
"""Pipeline reference for scband-embedding-3032246911457 (READ-ONLY COPY).

The authoritative reference and input builder live on the scoring server;
editing this copy changes nothing except your own understanding.
"""

import jax, jax.numpy as jnp
import numpy as np

NUM_EMBEDDINGS = 1000000
EMBEDDING_DIM = 32

def setup_inputs(seed: int = 0) -> dict:
    key = jax.random.key(seed)
    k_idx, k_w = jax.random.split(key)
    indices = jax.random.randint(k_idx, (16384, 200), 0, NUM_EMBEDDINGS, dtype=jnp.int64 if jax.config.jax_enable_x64 else jnp.int32)
    # weight initialized per EmbeddingStateInitializer: normal(mean=0.0, std=1.0)
    weight = jax.random.normal(k_w, (NUM_EMBEDDINGS, EMBEDDING_DIM), dtype=jnp.float32) * 1.0 + 0.0
    return {"indices": indices, "weight": weight}

def reference(indices, weight):
    # nn.Embedding forward: gather rows of the embedding table
    return jnp.take(weight, indices, axis=0)

if __name__ == "__main__":
    import jax
    _d = setup_inputs()
    print(jax.jit(kernel)(*tuple(_d.values())))

</pallas_src>

<mosaic_0001>
#map = affine_map<(d0, d1) -> (0, 0)>
#map1 = affine_map<(d0, d1) -> (0)>
module attributes {stable_mosaic.version = 14 : i64} {
  func.func @k(%arg0: i32, %arg1: i32, %arg2: memref<1000000x32xf32, #tpu.memory_space<hbm>>, %arg3: memref<3276800xi32, #tpu.memory_space<hbm>>, %arg4: memref<3276800x32xf32, #tpu.memory_space<hbm>>, %arg5: memref<2x4096xi32, #tpu.memory_space<vmem>>, %arg6: memref<4x512x32xf32, #tpu.memory_space<vmem>>, %arg7: memref<!tpu.dma_semaphore, #tpu.memory_space<semaphore_mem>>, %arg8: memref<!tpu.dma_semaphore, #tpu.memory_space<semaphore_mem>>, %arg9: memref<!tpu.dma_semaphore, #tpu.memory_space<semaphore_mem>>, %arg10: memref<!tpu.dma_semaphore, #tpu.memory_space<semaphore_mem>>, %arg11: memref<!tpu.dma_semaphore, #tpu.memory_space<semaphore_mem>>, %arg12: memref<!tpu.dma_semaphore, #tpu.memory_space<semaphore_mem>>, %arg13: memref<!tpu.dma_semaphore, #tpu.memory_space<semaphore_mem>>, %arg14: memref<!tpu.dma_semaphore, #tpu.memory_space<semaphore_mem>>, %arg15: memref<!tpu.dma_semaphore, #tpu.memory_space<semaphore_mem>>) attributes {dimension_semantics = [#tpu.dimension_semantics<core_parallel>, #tpu.dimension_semantics<subcore_parallel>], iteration_bounds = array<i64: 2, 16>, scalar_prefetch = 0 : i64, scratch_operands = 11 : i64, tpu.core_type = #tpu.core_type<sc_vector_subcore>, window_params = [{transform_indices = #map}, {transform_indices = #map1}, {transform_indices = #map}]} {
    %mul3A = arith.constant 2 : i32
    %mul3A_0 = arith.muli %arg1, %mul3A : i32
    %add3A = arith.addi %mul3A_0, %arg0 : i32
    %mul3A_1 = arith.constant 102400 : i32
    %mul3A_2 = arith.muli %add3A, %mul3A_1 : i32
    %add3A_3 = arith.constant 0 : i32
    %add3A_4 = arith.addi %mul3A_2, %add3A_3 : i32
    %multiple_of3A = tpu.assume_multiple %add3A_4, 512 : i32
    %dma_start3A = arith.constant 0 : i32
    %dma_start3A_5 = arith.constant 0 : i32
    %dma_start3A_6 = tpu.memref_slice %arg5[%dma_start3A, %dma_start3A_5] : memref<2x4096xi32, #tpu.memory_space<vmem>> -> memref<1x4096xi32, #tpu.memory_space<vmem>>
    %dma_start3A_7 = tpu.memref_squeeze %dma_start3A_6 : memref<1x4096xi32, #tpu.memory_space<vmem>> -> memref<4096xi32, #tpu.memory_space<vmem>>
    %dma_start3A_8 = tpu.memref_slice %arg3[%multiple_of3A] : memref<3276800xi32, #tpu.memory_space<hbm>> -> memref<4096xi32, #tpu.memory_space<hbm>>
    %dma_start3A_9 = arith.constant 0 : i32
    %dma_start3A_10 = tpu.memref_slice %arg5[%dma_start3A, %dma_start3A_9] : memref<2x4096xi32, #tpu.memory_space<vmem>> -> memref<1x4096xi32, #tpu.memory_space<vmem>>
    %dma_start3A_11 = tpu.memref_squeeze %dma_start3A_10 : memref<1x4096xi32, #tpu.memory_space<vmem>> -> memref<4096xi32, #tpu.memory_space<vmem>>
    %dma_start3A_12 = tpu.memref_slice %arg3[%multiple_of3A] : memref<3276800xi32, #tpu.memory_space<hbm>> -> memref<4096xi32, #tpu.memory_space<hbm>>
    tpu.enqueue_dma source(%dma_start3A_12 : memref<4096xi32, #tpu.memory_space<hbm>>) target(%dma_start3A_11 : memref<4096xi32, #tpu.memory_space<vmem>>) target_semaphore(%arg7 : memref<!tpu.dma_semaphore, #tpu.memory_space<semaphore_mem>>)
    %dma_wait3A = arith.constant 0 : i32
    %dma_wait3A_13 = arith.constant 0 : i32
    %dma_wait3A_14 = tpu.memref_slice %arg5[%dma_wait3A, %dma_wait3A_13] : memref<2x4096xi32, #tpu.memory_space<vmem>> -> memref<1x4096xi32, #tpu.memory_space<vmem>>
    %dma_wait3A_15 = tpu.memref_squeeze %dma_wait3A_14 : memref<1x4096xi32, #tpu.memory_space<vmem>> -> memref<4096xi32, #tpu.memory_space<vmem>>
    %dma_wait3A_16 = arith.constant 0 : i32
    %dma_wait3A_17 = tpu.memref_slice %arg3[%dma_wait3A_16] : memref<3276800xi32, #tpu.memory_space<hbm>> -> memref<4096xi32, #tpu.memory_space<hbm>>
    %dma_wait3A_18 = arith.constant 0 : i32
    %dma_wait3A_19 = tpu.memref_slice %arg5[%dma_wait3A, %dma_wait3A_18] : memref<2x4096xi32, #tpu.memory_space<vmem>> -> memref<1x4096xi32, #tpu.memory_space<vmem>>
    %dma_wait3A_20 = tpu.memref_squeeze %dma_wait3A_19 : memref<1x4096xi32, #tpu.memory_space<vmem>> -> memref<4096xi32, #tpu.memory_space<vmem>>
    %dma_wait3A_21 = arith.constant 0 : i32
    %dma_wait3A_22 = tpu.memref_slice %arg3[%dma_wait3A_21] : memref<3276800xi32, #tpu.memory_space<hbm>> -> memref<4096xi32, #tpu.memory_space<hbm>>
    tpu.wait_dma2 semaphore(%arg7 : memref<!tpu.dma_semaphore, #tpu.memory_space<semaphore_mem>>) src(%dma_wait3A_22 : memref<4096xi32, #tpu.memory_space<hbm>>) dst(%dma_wait3A_20 : memref<4096xi32, #tpu.memory_space<vmem>>)
    %scan3A = arith.constant 0 : i32
    %scan3A_23 = arith.constant 0 : i32
    %scan3A_24 = arith.constant 50 : i32
    %scan3A_25 = arith.addi %scan3A_23, %scan3A_24 : i32
    %scan3A_26 = arith.constant 1 : i32
    scf.for %scan3A_150 = %scan3A_23 to %scan3A_25 step %scan3A_26  : i32 {
      %jit3A = arith.constant 2 : i32
      %div3A = arith.divsi %scan3A_150, %jit3A : i32
      %sign3A = arith.constant 0 : i32
      %sign3A_151 = arith.cmpi sgt, %scan3A_150, %sign3A : i32
      %sign3A_152 = arith.extui %sign3A_151 : i1 to i32
      %sign3A_153 = arith.constant 0 : i32
      %sign3A_154 = arith.cmpi slt, %scan3A_150, %sign3A_153 : i32
      %sign3A_155 = arith.extui %sign3A_154 : i1 to i32
      %sign3A_156 = arith.subi %sign3A_152, %sign3A_155 : i32
      %sign3A_157 = arith.constant 0 : i32
      %sign3A_158 = arith.cmpi sgt, %jit3A, %sign3A_157 : i32
      %sign3A_159 = arith.extui %sign3A_158 : i1 to i32
      %sign3A_160 = arith.constant 0 : i32
      %sign3A_161 = arith.cmpi slt, %jit3A, %sign3A_160 : i32
      %sign3A_162 = arith.extui %sign3A_161 : i1 to i32
      %sign3A_163 = arith.subi %sign3A_159, %sign3A_162 : i32
      %ne3A = arith.cmpi ne, %sign3A_156, %sign3A_163 : i32
      %rem3A = arith.remsi %scan3A_150, %jit3A : i32
      %ne3A_164 = arith.constant 0 : i32
      %ne3A_165 = arith.cmpi ne, %rem3A, %ne3A_164 : i32
      %and3A = arith.andi %ne3A, %ne3A_165 : i1
      %sub3A = arith.constant 1 : i32
      %sub3A_166 = arith.subi %div3A, %sub3A : i32
      %select_n3A = arith.select %and3A, %sub3A_166, %div3A : i32
      %rem3A_167 = arith.constant 2 : i32
      %rem3A_168 = arith.remsi %select_n3A, %rem3A_167 : i32
      %rem3A_169 = arith.constant 2 : i32
      %rem3A_170 = arith.remsi %scan3A_150, %rem3A_169 : i32
      %eq3A = arith.constant 0 : i32
      %eq3A_171 = arith.cmpi eq, %rem3A_170, %eq3A : i32
      %mul3A_172 = arith.constant 4 : i32
      %mul3A_173 = arith.muli %mul3A_172, %scan3A_150 : i32
      %add3A_174 = arith.constant 0 : i32
      %add3A_175 = arith.addi %mul3A_173, %add3A_174 : i32
      %mul3A_176 = arith.constant 4 : i32
      %mul3A_177 = arith.muli %mul3A_176, %rem3A_170 : i32
      %add3A_178 = arith.constant 0 : i32
      %add3A_179 = arith.addi %mul3A_177, %add3A_178 : i32
      %gt3A = arith.constant 0 : i32
      %gt3A_180 = arith.cmpi sgt, %scan3A_150, %gt3A : i32
      %and3A_181 = arith.andi %eq3A_171, %gt3A_180 : i1
      %convert_element_type3A = arith.extui %and3A_181 : i1 to i32
      %cond3A = arith.constant 0 : i32
      %cond3A_182 = arith.cmpi ne, %convert_element_type3A, %cond3A : i32
      scf.if %cond3A_182 {
        %dma_wait3A_359 = arith.constant 0 : i32
        %dma_wait3A_360 = tpu.memref_slice %arg5[%rem3A_168, %dma_wait3A_359] : memref<2x4096xi32, #tpu.memory_space<vmem>> -> memref<1x4096xi32, #tpu.memory_space<vmem>>
        %dma_wait3A_361 = tpu.memref_squeeze %dma_wait3A_360 : memref<1x4096xi32, #tpu.memory_space<vmem>> -> memref<4096xi32, #tpu.memory_space<vmem>>
        %dma_wait3A_362 = arith.constant 0 : i32
        %dma_wait3A_363 = tpu.memref_slice %arg3[%dma_wait3A_362] : memref<3276800xi32, #tpu.memory_space<hbm>> -> memref<4096xi32, #tpu.memory_space<hbm>>
        %dma_wait3A_364 = arith.constant 0 : i32
        %dma_wait3A_365 = tpu.memref_slice %arg5[%rem3A_168, %dma_wait3A_364] : memref<2x4096xi32, #tpu.memory_space<vmem>> -> memref<1x4096xi32, #tpu.memory_space<vmem>>
        %dma_wait3A_366 = tpu.memref_squeeze %dma_wait3A_365 : memref<1x4096xi32, #tpu.memory_space<vmem>> -> memref<4096xi32, #tpu.memory_space<vmem>>
        %dma_wait3A_367 = arith.constant 0 : i32
        %dma_wait3A_368 = tpu.memref_slice %arg3[%dma_wait3A_367] : memref<3276800xi32, #tpu.memory_space<hbm>> -> memref<4096xi32, #tpu.memory_space<hbm>>
        tpu.wait_dma2 semaphore(%arg7 : memref<!tpu.dma_semaphore, #tpu.memory_space<semaphore_mem>>) src(%dma_wait3A_368 : memref<4096xi32, #tpu.memory_space<hbm>>) dst(%dma_wait3A_366 : memref<4096xi32, #tpu.memory_space<vmem>>)
      } else {
      }
      %ge3A = arith.constant 1 : i32
      %ge3A_183 = arith.cmpi sge, %scan3A_150, %ge3A : i32
      %convert_element_type3A_184 = arith.extui %ge3A_183 : i1 to i32
      %cond3A_185 = arith.constant 0 : i32
      %cond3A_186 = arith.cmpi ne, %convert_element_type3A_184, %cond3A_185 : i32
      scf.if %cond3A_186 {
        %dma_wait3A_359 = arith.constant 0 : i32
        %dma_wait3A_360 = arith.constant 0 : i32
        %dma_wait3A_361 = arith.constant 0 : i32
        %dma_wait3A_362 = tpu.memref_slice %arg6[%dma_wait3A_359, %dma_wait3A_360, %dma_wait3A_361] : memref<4x512x32xf32, #tpu.memory_space<vmem>> -> memref<1x512x32xf32, #tpu.memory_space<vmem>>
        %dma_wait3A_363 = tpu.memref_squeeze %dma_wait3A_362 : memref<1x512x32xf32, #tpu.memory_space<vmem>> -> memref<512x32xf32, #tpu.memory_space<vmem>>
        %dma_wait3A_364 = arith.constant 0 : i32
        %dma_wait3A_365 = arith.constant 0 : i32
        %dma_wait3A_366 = tpu.memref_slice %arg4[%dma_wait3A_364, %dma_wait3A_365] : memref<3276800x32xf32, #tpu.memory_space<hbm>> -> memref<512x32xf32, #tpu.memory_space<hbm>>
        %dma_wait3A_367 = arith.constant 0 : i32
        %dma_wait3A_368 = arith.constant 0 : i32
        %dma_wait3A_369 = tpu.memref_slice %arg4[%dma_wait3A_367, %dma_wait3A_368] : memref<3276800x32xf32, #tpu.memory_space<hbm>> -> memref<512x32xf32, #tpu.memory_space<hbm>>
        %dma_wait3A_370 = arith.constant 0 : i32
        %dma_wait3A_371 = arith.constant 0 : i32
        %dma_wait3A_372 = tpu.memref_slice %arg6[%dma_wait3A_359, %dma_wait3A_370, %dma_wait3A_371] : memref<4x512x32xf32, #tpu.memory_space<vmem>> -> memref<1x512x32xf32, #tpu.memory_space<vmem>>
        %dma_wait3A_373 = tpu.memref_squeeze %dma_wait3A_372 : memref<1x512x32xf32, #tpu.memory_space<vmem>> -> memref<512x32xf32, #tpu.memory_space<vmem>>
        tpu.wait_dma2 semaphore(%arg12 : memref<!tpu.dma_semaphore, #tpu.memory_space<semaphore_mem>>) src(%dma_wait3A_373 : memref<512x32xf32, #tpu.memory_space<vmem>>) dst(%dma_wait3A_369 : memref<512x32xf32, #tpu.memory_space<hbm>>)
      } else {
      }
      %mul3A_187 = arith.constant 512 : i32
      %mul3A_188 = arith.muli %add3A_179, %mul3A_187 : i32
      %dma_start3A_189 = arith.constant 0 : i32
      %dma_start3A_190 = arith.constant 0 : i32
      %dma_start3A_191 = arith.constant 0 : i32
      %dma_start3A_192 = tpu.memref_slice %arg6[%dma_start3A_189, %dma_start3A_190, %dma_start3A_191] : memref<4x512x32xf32, #tpu.memory_space<vmem>> -> memref<1x512x32xf32, #tpu.memory_space<vmem>>
      %dma_start3A_193 = tpu.memref_squeeze %dma_start3A_192 : memref<1x512x32xf32, #tpu.memory_space<vmem>> -> memref<512x32xf32, #tpu.memory_space<vmem>>
      %dma_start3A_194 = tpu.memref_slice %arg5[%rem3A_168, %mul3A_188] : memref<2x4096xi32, #tpu.memory_space<vmem>> -> memref<1x512xi32, #tpu.memory_space<vmem>>
      %dma_start3A_195 = tpu.memref_squeeze %dma_start3A_194 : memref<1x512xi32, #tpu.memory_space<vmem>> -> memref<512xi32, #tpu.memory_space<vmem>>
      %dma_start3A_196 = arith.constant 0 : i32
      %dma_start3A_197 = arith.constant 0 : i32
      %dma_start3A_198 = tpu.memref_slice %arg2[%dma_start3A_196, %dma_start3A_197] : memref<1000000x32xf32, #tpu.memory_space<hbm>> -> memref<1000000x32xf32, #tpu.memory_space<hbm>>
      tpu.enqueue_indirect_dma source(%dma_start3A_198 : memref<1000000x32xf32, #tpu.memory_space<hbm>>) target(%dma_start3A_193 : memref<512x32xf32, #tpu.memory_space<vmem>>) offsets(%dma_start3A_195 : memref<512xi32, #tpu.memory_space<vmem>>) semaphore(%arg8 : memref<!tpu.dma_semaphore, #tpu.memory_space<semaphore_mem>>)
      %ge3A_199 = arith.constant 1 : i32
      %ge3A_200 = arith.cmpi sge, %scan3A_150, %ge3A_199 : i32
      %convert_element_type3A_201 = arith.extui %ge3A_200 : i1 to i32
      %cond3A_202 = arith.constant 0 : i32
      %cond3A_203 = arith.cmpi ne, %convert_element_type3A_201, %cond3A_202 : i32
      scf.if %cond3A_203 {
        %dma_wait3A_359 = arith.constant 2 : i32
        %dma_wait3A_360 = arith.constant 0 : i32
        %dma_wait3A_361 = arith.constant 0 : i32
        %dma_wait3A_362 = tpu.memref_slice %arg6[%dma_wait3A_359, %dma_wait3A_360, %dma_wait3A_361] : memref<4x512x32xf32, #tpu.memory_space<vmem>> -> memref<1x512x32xf32, #tpu.memory_space<vmem>>
        %dma_wait3A_363 = tpu.memref_squeeze %dma_wait3A_362 : memref<1x512x32xf32, #tpu.memory_space<vmem>> -> memref<512x32xf32, #tpu.memory_space<vmem>>
        %dma_wait3A_364 = arith.constant 0 : i32
        %dma_wait3A_365 = arith.constant 0 : i32
        %dma_wait3A_366 = tpu.memref_slice %arg2[%dma_wait3A_364, %dma_wait3A_365] : memref<1000000x32xf32, #tpu.memory_space<hbm>> -> memref<512x32xf32, #tpu.memory_space<hbm>>
        %dma_wait3A_367 = arith.constant 0 : i32
        %dma_wait3A_368 = arith.constant 0 : i32
        %dma_wait3A_369 = tpu.memref_slice %arg6[%dma_wait3A_359, %dma_wait3A_367, %dma_wait3A_368] : memref<4x512x32xf32, #tpu.memory_space<vmem>> -> memref<1x512x32xf32, #tpu.memory_space<vmem>>
        %dma_wait3A_370 = tpu.memref_squeeze %dma_wait3A_369 : memref<1x512x32xf32, #tpu.memory_space<vmem>> -> memref<512x32xf32, #tpu.memory_space<vmem>>
        %dma_wait3A_371 = arith.constant 0 : i32
        %dma_wait3A_372 = arith.constant 0 : i32
        %dma_wait3A_373 = tpu.memref_slice %arg2[%dma_wait3A_371, %dma_wait3A_372] : memref<1000000x32xf32, #tpu.memory_space<hbm>> -> memref<512x32xf32, #tpu.memory_space<hbm>>
        tpu.wait_dma2 semaphore(%arg10 : memref<!tpu.dma_semaphore, #tpu.memory_space<semaphore_mem>>) src(%dma_wait3A_373 : memref<512x32xf32, #tpu.memory_space<hbm>>) dst(%dma_wait3A_370 : memref<512x32xf32, #tpu.memory_space<vmem>>)
        %sub3A_374 = arith.constant 2 : i32
        %sub3A_375 = arith.subi %add3A_175, %sub3A_374 : i32
        %mul3A_376 = arith.constant 512 : i32
        %mul3A_377 = arith.muli %sub3A_375, %mul3A_376 : i32
        %add3A_378 = arith.addi %mul3A_2, %mul3A_377 : i32
        %multiple_of3A_379 = tpu.assume_multiple %add3A_378, 512 : i32
        %dma_start3A_380 = arith.constant 2 : i32
        %dma_start3A_381 = arith.constant 0 : i32
        %dma_start3A_382 = arith.constant 0 : i32
        %dma_start3A_383 = tpu.memref_slice %arg6[%dma_start3A_380, %dma_start3A_381, %dma_start3A_382] : memref<4x512x32xf32, #tpu.memory_space<vmem>> -> memref<1x512x32xf32, #tpu.memory_space<vmem>>
        %dma_start3A_384 = tpu.memref_squeeze %dma_start3A_383 : memref<1x512x32xf32, #tpu.memory_space<vmem>> -> memref<512x32xf32, #tpu.memory_space<vmem>>
        %dma_start3A_385 = arith.constant 0 : i32
        %dma_start3A_386 = tpu.memref_slice %arg4[%multiple_of3A_379, %dma_start3A_385] : memref<3276800x32xf32, #tpu.memory_space<hbm>> -> memref<512x32xf32, #tpu.memory_space<hbm>>
        %dma_start3A_387 = arith.constant 0 : i32
        %dma_start3A_388 = tpu.memref_slice %arg4[%multiple_of3A_379, %dma_start3A_387] : memref<3276800x32xf32, #tpu.memory_space<hbm>> -> memref<512x32xf32, #tpu.memory_space<hbm>>
        %dma_start3A_389 = arith.constant 0 : i32
        %dma_start3A_390 = arith.constant 0 : i32
        %dma_start3A_391 = tpu.memref_slice %arg6[%dma_start3A_380, %dma_start3A_389, %dma_start3A_390] : memref<4x512x32xf32, #tpu.memory_space<vmem>> -> memref<1x512x32xf32, #tpu.memory_space<vmem>>
        %dma_start3A_392 = tpu.memref_squeeze %dma_start3A_391 : memref<1x512x32xf32, #tpu.memory_space<vmem>> -> memref<512x32xf32, #tpu.memory_space<vmem>>
        tpu.enqueue_dma source(%dma_start3A_392 : memref<512x32xf32, #tpu.memory_space<vmem>>) target(%dma_start3A_388 : memref<512x32xf32, #tpu.memory_space<hbm>>) target_semaphore(%arg14 : memref<!tpu.dma_semaphore, #tpu.memory_space<semaphore_mem>>)
      } else {
      }
      %mul3A_204 = arith.constant 4 : i32
      %mul3A_205 = arith.muli %mul3A_204, %scan3A_150 : i32
      %add3A_206 = arith.constant 1 : i32
      %add3A_207 = arith.addi %mul3A_205, %add3A_206 : i32
      %mul3A_208 = arith.constant 4 : i32
      %mul3A_209 = arith.muli %mul3A_208, %rem3A_170 : i32
      %add3A_210 = arith.constant 1 : i32
      %add3A_211 = arith.addi %mul3A_209, %add3A_210 : i32
      %ge3A_212 = arith.constant 1 : i32
      %ge3A_213 = arith.cmpi sge, %scan3A_150, %ge3A_212 : i32
      %convert_element_type3A_214 = arith.extui %ge3A_213 : i1 to i32
      %cond3A_215 = arith.constant 0 : i32
      %cond3A_216 = arith.cmpi ne, %convert_element_type3A_214, %cond3A_215 : i32
      scf.if %cond3A_216 {
        %dma_wait3A_359 = arith.constant 1 : i32
        %dma_wait3A_360 = arith.constant 0 : i32
        %dma_wait3A_361 = arith.constant 0 : i32
        %dma_wait3A_362 = tpu.memref_slice %arg6[%dma_wait3A_359, %dma_wait3A_360, %dma_wait3A_361] : memref<4x512x32xf32, #tpu.memory_space<vmem>> -> memref<1x512x32xf32, #tpu.memory_space<vmem>>
        %dma_wait3A_363 = tpu.memref_squeeze %dma_wait3A_362 : memref<1x512x32xf32, #tpu.memory_space<vmem>> -> memref<512x32xf32, #tpu.memory_space<vmem>>
        %dma_wait3A_364 = arith.constant 0 : i32
        %dma_wait3A_365 = arith.constant 0 : i32
        %dma_wait3A_366 = tpu.memref_slice %arg4[%dma_wait3A_364, %dma_wait3A_365] : memref<3276800x32xf32, #tpu.memory_space<hbm>> -> memref<512x32xf32, #tpu.memory_space<hbm>>
        %dma_wait3A_367 = arith.constant 0 : i32
        %dma_wait3A_368 = arith.constant 0 : i32
        %dma_wait3A_369 = tpu.memref_slice %arg4[%dma_wait3A_367, %dma_wait3A_368] : memref<3276800x32xf32, #tpu.memory_space<hbm>> -> memref<512x32xf32, #tpu.memory_space<hbm>>
        %dma_wait3A_370 = arith.constant 0 : i32
        %dma_wait3A_371 = arith.constant 0 : i32
        %dma_wait3A_372 = tpu.memref_slice %arg6[%dma_wait3A_359, %dma_wait3A_370, %dma_wait3A_371] : memref<4x512x32xf32, #tpu.memory_space<vmem>> -> memref<1x512x32xf32, #tpu.memory_space<vmem>>
        %dma_wait3A_373 = tpu.memref_squeeze %dma_wait3A_372 : memref<1x512x32xf32, #tpu.memory_space<vmem>> -> memref<512x32xf32, #tpu.memory_space<vmem>>
        tpu.wait_dma2 semaphore(%arg13 : memref<!tpu.dma_semaphore, #tpu.memory_space<semaphore_mem>>) src(%dma_wait3A_373 : memref<512x32xf32, #tpu.memory_space<vmem>>) dst(%dma_wait3A_369 : memref<512x32xf32, #tpu.memory_space<hbm>>)
      } else {
      }
      %mul3A_217 = arith.constant 512 : i32
      %mul3A_218 = arith.muli %add3A_211, %mul3A_217 : i32
      %dma_start3A_219 = arith.constant 1 : i32
      %dma_start3A_220 = arith.constant 0 : i32
      %dma_start3A_221 = arith.constant 0 : i32
      %dma_start3A_222 = tpu.memref_slice %arg6[%dma_start3A_219, %dma_start3A_220, %dma_start3A_221] : memref<4x512x32xf32, #tpu.memory_space<vmem>> -> memref<1x512x32xf32, #tpu.memory_space<vmem>>
      %dma_start3A_223 = tpu.memref_squeeze %dma_start3A_222 : memref<1x512x32xf32, #tpu.memory_space<vmem>> -> memref<512x32xf32, #tpu.memory_space<vmem>>
      %dma_start3A_224 = tpu.memref_slice %arg5[%rem3A_168, %mul3A_218] : memref<2x4096xi32, #tpu.memory_space<vmem>> -> memref<1x512xi32, #tpu.memory_space<vmem>>
      %dma_start3A_225 = tpu.memref_squeeze %dma_start3A_224 : memref<1x512xi32, #tpu.memory_space<vmem>> -> memref<512xi32, #tpu.memory_space<vmem>>
      %dma_start3A_226 = arith.constant 0 : i32
      %dma_start3A_227 = arith.constant 0 : i32
      %dma_start3A_228 = tpu.memref_slice %arg2[%dma_start3A_226, %dma_start3A_227] : memref<1000000x32xf32, #tpu.memory_space<hbm>> -> memref<1000000x32xf32, #tpu.memory_space<hbm>>
      tpu.enqueue_indirect_dma source(%dma_start3A_228 : memref<1000000x32xf32, #tpu.memory_space<hbm>>) target(%dma_start3A_223 : memref<512x32xf32, #tpu.memory_space<vmem>>) offsets(%dma_start3A_225 : memref<512xi32, #tpu.memory_space<vmem>>) semaphore(%arg9 : memref<!tpu.dma_semaphore, #tpu.memory_space<semaphore_mem>>)
      %ge3A_229 = arith.constant 1 : i32
      %ge3A_230 = arith.cmpi sge, %scan3A_150, %ge3A_229 : i32
      %convert_element_type3A_231 = arith.extui %ge3A_230 : i1 to i32
      %cond3A_232 = arith.constant 0 : i32
      %cond3A_233 = arith.cmpi ne, %convert_element_type3A_231, %cond3A_232 : i32
      scf.if %cond3A_233 {
        %dma_wait3A_359 = arith.constant 3 : i32
        %dma_wait3A_360 = arith.constant 0 : i32
        %dma_wait3A_361 = arith.constant 0 : i32
        %dma_wait3A_362 = tpu.memref_slice %arg6[%dma_wait3A_359, %dma_wait3A_360, %dma_wait3A_361] : memref<4x512x32xf32, #tpu.memory_space<vmem>> -> memref<1x512x32xf32, #tpu.memory_space<vmem>>
        %dma_wait3A_363 = tpu.memref_squeeze %dma_wait3A_362 : memref<1x512x32xf32, #tpu.memory_space<vmem>> -> memref<512x32xf32, #tpu.memory_space<vmem>>
        %dma_wait3A_364 = arith.constant 0 : i32
        %dma_wait3A_365 = arith.constant 0 : i32
        %dma_wait3A_366 = tpu.memref_slice %arg2[%dma_wait3A_364, %dma_wait3A_365] : memref<1000000x32xf32, #tpu.memory_space<hbm>> -> memref<512x32xf32, #tpu.memory_space<hbm>>
        %dma_wait3A_367 = arith.constant 0 : i32
        %dma_wait3A_368 = arith.constant 0 : i32
        %dma_wait3A_369 = tpu.memref_slice %arg6[%dma_wait3A_359, %dma_wait3A_367, %dma_wait3A_368] : memref<4x512x32xf32, #tpu.memory_space<vmem>> -> memref<1x512x32xf32, #tpu.memory_space<vmem>>
        %dma_wait3A_370 = tpu.memref_squeeze %dma_wait3A_369 : memref<1x512x32xf32, #tpu.memory_space<vmem>> -> memref<512x32xf32, #tpu.memory_space<vmem>>
        %dma_wait3A_371 = arith.constant 0 : i32
        %dma_wait3A_372 = arith.constant 0 : i32
        %dma_wait3A_373 = tpu.memref_slice %arg2[%dma_wait3A_371, %dma_wait3A_372] : memref<1000000x32xf32, #tpu.memory_space<hbm>> -> memref<512x32xf32, #tpu.memory_space<hbm>>
        tpu.wait_dma2 semaphore(%arg11 : memref<!tpu.dma_semaphore, #tpu.memory_space<semaphore_mem>>) src(%dma_wait3A_373 : memref<512x32xf32, #tpu.memory_space<hbm>>) dst(%dma_wait3A_370 : memref<512x32xf32, #tpu.memory_space<vmem>>)
        %sub3A_374 = arith.constant 2 : i32
        %sub3A_375 = arith.subi %add3A_207, %sub3A_374 : i32
        %mul3A_376 = arith.constant 512 : i32
        %mul3A_377 = arith.muli %sub3A_375, %mul3A_376 : i32
        %add3A_378 = arith.addi %mul3A_2, %mul3A_377 : i32
        %multiple_of3A_379 = tpu.assume_multiple %add3A_378, 512 : i32
        %dma_start3A_380 = arith.constant 3 : i32
        %dma_start3A_381 = arith.constant 0 : i32
        %dma_start3A_382 = arith.constant 0 : i32
        %dma_start3A_383 = tpu.memref_slice %arg6[%dma_start3A_380, %dma_start3A_381, %dma_start3A_382] : memref<4x512x32xf32, #tpu.memory_space<vmem>> -> memref<1x512x32xf32, #tpu.memory_space<vmem>>
        %dma_start3A_384 = tpu.memref_squeeze %dma_start3A_383 : memref<1x512x32xf32, #tpu.memory_space<vmem>> -> memref<512x32xf32, #tpu.memory_space<vmem>>
        %dma_start3A_385 = arith.constant 0 : i32
        %dma_start3A_386 = tpu.memref_slice %arg4[%multiple_of3A_379, %dma_start3A_385] : memref<3276800x32xf32, #tpu.memory_space<hbm>> -> memref<512x32xf32, #tpu.memory_space<hbm>>
        %dma_start3A_387 = arith.constant 0 : i32
        %dma_start3A_388 = tpu.memref_slice %arg4[%multiple_of3A_379, %dma_start3A_387] : memref<3276800x32xf32, #tpu.memory_space<hbm>> -> memref<512x32xf32, #tpu.memory_space<hbm>>
        %dma_start3A_389 = arith.constant 0 : i32
        %dma_start3A_390 = arith.constant 0 : i32
        %dma_start3A_391 = tpu.memref_slice %arg6[%dma_start3A_380, %dma_start3A_389, %dma_start3A_390] : memref<4x512x32xf32, #tpu.memory_space<vmem>> -> memref<1x512x32xf32, #tpu.memory_space<vmem>>
        %dma_start3A_392 = tpu.memref_squeeze %dma_start3A_391 : memref<1x512x32xf32, #tpu.memory_space<vmem>> -> memref<512x32xf32, #tpu.memory_space<vmem>>
        tpu.enqueue_dma source(%dma_start3A_392 : memref<512x32xf32, #tpu.memory_space<vmem>>) target(%dma_start3A_388 : memref<512x32xf32, #tpu.memory_space<hbm>>) target_semaphore(%arg15 : memref<!tpu.dma_semaphore, #tpu.memory_space<semaphore_mem>>)
      } else {
      }
      %mul3A_234 = arith.constant 4 : i32
      %mul3A_235 = arith.muli %mul3A_234, %scan3A_150 : i32
      %add3A_236 = arith.constant 2 : i32
      %add3A_237 = arith.addi %mul3A_235, %add3A_236 : i32
      %mul3A_238 = arith.constant 4 : i32
      %mul3A_239 = arith.muli %mul3A_238, %rem3A_170 : i32
      %add3A_240 = arith.constant 2 : i32
      %add3A_241 = arith.addi %mul3A_239, %add3A_240 : i32
      %ge3A_242 = arith.constant 1 : i32
      %ge3A_243 = arith.cmpi sge, %scan3A_150, %ge3A_242 : i32
      %convert_element_type3A_244 = arith.extui %ge3A_243 : i1 to i32
      %cond3A_245 = arith.constant 0 : i32
      %cond3A_246 = arith.cmpi ne, %convert_element_type3A_244, %cond3A_245 : i32
      scf.if %cond3A_246 {
        %dma_wait3A_359 = arith.constant 2 : i32
        %dma_wait3A_360 = arith.constant 0 : i32
        %dma_wait3A_361 = arith.constant 0 : i32
        %dma_wait3A_362 = tpu.memref_slice %arg6[%dma_wait3A_359, %dma_wait3A_360, %dma_wait3A_361] : memref<4x512x32xf32, #tpu.memory_space<vmem>> -> memref<1x512x32xf32, #tpu.memory_space<vmem>>
        %dma_wait3A_363 = tpu.memref_squeeze %dma_wait3A_362 : memref<1x512x32xf32, #tpu.memory_space<vmem>> -> memref<512x32xf32, #tpu.memory_space<vmem>>
        %dma_wait3A_364 = arith.constant 0 : i32
        %dma_wait3A_365 = arith.constant 0 : i32
        %dma_wait3A_366 = tpu.memref_slice %arg4[%dma_wait3A_364, %dma_wait3A_365] : memref<3276800x32xf32, #tpu.memory_space<hbm>> -> memref<512x32xf32, #tpu.memory_space<hbm>>
        %dma_wait3A_367 = arith.constant 0 : i32
        %dma_wait3A_368 = arith.constant 0 : i32
        %dma_wait3A_369 = tpu.memref_slice %arg4[%dma_wait3A_367, %dma_wait3A_368] : memref<3276800x32xf32, #tpu.memory_space<hbm>> -> memref<512x32xf32, #tpu.memory_space<hbm>>
        %dma_wait3A_370 = arith.constant 0 : i32
        %dma_wait3A_371 = arith.constant 0 : i32
        %dma_wait3A_372 = tpu.memref_slice %arg6[%dma_wait3A_359, %dma_wait3A_370, %dma_wait3A_371] : memref<4x512x32xf32, #tpu.memory_space<vmem>> -> memref<1x512x32xf32, #tpu.memory_space<vmem>>
        %dma_wait3A_373 = tpu.memref_squeeze %dma_wait3A_372 : memref<1x512x32xf32, #tpu.memory_space<vmem>> -> memref<512x32xf32, #tpu.memory_space<vmem>>
        tpu.wait_dma2 semaphore(%arg14 : memref<!tpu.dma_semaphore, #tpu.memory_space<semaphore_mem>>) src(%dma_wait3A_373 : memref<512x32xf32, #tpu.memory_space<vmem>>) dst(%dma_wait3A_369 : memref<512x32xf32, #tpu.memory_space<hbm>>)
      } else {
      }
      %mul3A_247 = arith.constant 512 : i32
      %mul3A_248 = arith.muli %add3A_241, %mul3A_247 : i32
      %dma_start3A_249 = arith.constant 2 : i32
      %dma_start3A_250 = arith.constant 0 : i32
      %dma_start3A_251 = arith.constant 0 : i32
      %dma_start3A_252 = tpu.memref_slice %arg6[%dma_start3A_249, %dma_start3A_250, %dma_start3A_251] : memref<4x512x32xf32, #tpu.memory_space<vmem>> -> memref<1x512x32xf32, #tpu.memory_space<vmem>>
      %dma_start3A_253 = tpu.memref_squeeze %dma_start3A_252 : memref<1x512x32xf32, #tpu.memory_space<vmem>> -> memref<512x32xf32, #tpu.memory_space<vmem>>
      %dma_start3A_254 = tpu.memref_slice %arg5[%rem3A_168, %mul3A_248] : memref<2x4096xi32, #tpu.memory_space<vmem>> -> memref<1x512xi32, #tpu.memory_space<vmem>>
      %dma_start3A_255 = tpu.memref_squeeze %dma_start3A_254 : memref<1x512xi32, #tpu.memory_space<vmem>> -> memref<512xi32, #tpu.memory_space<vmem>>
      %dma_start3A_256 = arith.constant 0 : i32
      %dma_start3A_257 = arith.constant 0 : i32
      %dma_start3A_258 = tpu.memref_slice %arg2[%dma_start3A_256, %dma_start3A_257] : memref<1000000x32xf32, #tpu.memory_space<hbm>> -> memref<1000000x32xf32, #tpu.memory_space<hbm>>
      tpu.enqueue_indirect_dma source(%dma_start3A_258 : memref<1000000x32xf32, #tpu.memory_space<hbm>>) target(%dma_start3A_253 : memref<512x32xf32, #tpu.memory_space<vmem>>) offsets(%dma_start3A_255 : memref<512xi32, #tpu.memory_space<vmem>>) semaphore(%arg10 : memref<!tpu.dma_semaphore, #tpu.memory_space<semaphore_mem>>)
      %add3A_259 = arith.constant 1 : i32
      %add3A_260 = arith.addi %select_n3A, %add3A_259 : i32
      %lt3A = arith.constant 25 : i32
      %lt3A_261 = arith.cmpi slt, %add3A_260, %lt3A : i32
      %and3A_262 = arith.andi %eq3A_171, %lt3A_261 : i1
      %convert_element_type3A_263 = arith.extui %and3A_262 : i1 to i32
      %cond3A_264 = arith.constant 0 : i32
      %cond3A_265 = arith.cmpi ne, %convert_element_type3A_263, %cond3A_264 : i32
      scf.if %cond3A_265 {
        %add3A_359 = arith.constant 1 : i32
        %add3A_360 = arith.addi %select_n3A, %add3A_359 : i32
        %sub3A_361 = arith.constant 1 : i32
        %sub3A_362 = arith.subi %sub3A_361, %rem3A_168 : i32
        %mul3A_363 = arith.constant 8 : i32
        %mul3A_364 = arith.muli %add3A_360, %mul3A_363 : i32
        %mul3A_365 = arith.constant 512 : i32
        %mul3A_366 = arith.muli %mul3A_364, %mul3A_365 : i32
        %add3A_367 = arith.addi %mul3A_2, %mul3A_366 : i32
        %multiple_of3A_368 = tpu.assume_multiple %add3A_367, 512 : i32
        %dma_start3A_369 = arith.constant 0 : i32
        %dma_start3A_370 = tpu.memref_slice %arg5[%sub3A_362, %dma_start3A_369] : memref<2x4096xi32, #tpu.memory_space<vmem>> -> memref<1x4096xi32, #tpu.memory_space<vmem>>
        %dma_start3A_371 = tpu.memref_squeeze %dma_start3A_370 : memref<1x4096xi32, #tpu.memory_space<vmem>> -> memref<4096xi32, #tpu.memory_space<vmem>>
        %dma_start3A_372 = tpu.memref_slice %arg3[%multiple_of3A_368] : memref<3276800xi32, #tpu.memory_space<hbm>> -> memref<4096xi32, #tpu.memory_space<hbm>>
        %dma_start3A_373 = arith.constant 0 : i32
        %dma_start3A_374 = tpu.memref_slice %arg5[%sub3A_362, %dma_start3A_373] : memref<2x4096xi32, #tpu.memory_space<vmem>> -> memref<1x4096xi32, #tpu.memory_space<vmem>>
        %dma_start3A_375 = tpu.memref_squeeze %dma_start3A_374 : memref<1x4096xi32, #tpu.memory_space<vmem>> -> memref<4096xi32, #tpu.memory_space<vmem>>
        %dma_start3A_376 = tpu.memref_slice %arg3[%multiple_of3A_368] : memref<3276800xi32, #tpu.memory_space<hbm>> -> memref<4096xi32, #tpu.memory_space<hbm>>
        tpu.enqueue_dma source(%dma_start3A_376 : memref<4096xi32, #tpu.memory_space<hbm>>) target(%dma_start3A_375 : memref<4096xi32, #tpu.memory_space<vmem>>) target_semaphore(%arg7 : memref<!tpu.dma_semaphore, #tpu.memory_space<semaphore_mem>>)
      } else {
      }
      %dma_wait3A_266 = arith.constant 0 : i32
      %dma_wait3A_267 = arith.constant 0 : i32
      %dma_wait3A_268 = arith.constant 0 : i32
      %dma_wait3A_269 = tpu.memref_slice %arg6[%dma_wait3A_266, %dma_wait3A_267, %dma_wait3A_268] : memref<4x512x32xf32, #tpu.memory_space<vmem>> -> memref<1x512x32xf32, #tpu.memory_space<vmem>>
      %dma_wait3A_270 = tpu.memref_squeeze %dma_wait3A_269 : memref<1x512x32xf32, #tpu.memory_space<vmem>> -> memref<512x32xf32, #tpu.memory_space<vmem>>
      %dma_wait3A_271 = arith.constant 0 : i32
      %dma_wait3A_272 = arith.constant 0 : i32
      %dma_wait3A_273 = tpu.memref_slice %arg2[%dma_wait3A_271, %dma_wait3A_272] : memref<1000000x32xf32, #tpu.memory_space<hbm>> -> memref<512x32xf32, #tpu.memory_space<hbm>>
      %dma_wait3A_274 = arith.constant 0 : i32
      %dma_wait3A_275 = arith.constant 0 : i32
      %dma_wait3A_276 = tpu.memref_slice %arg6[%dma_wait3A_266, %dma_wait3A_274, %dma_wait3A_275] : memref<4x512x32xf32, #tpu.memory_space<vmem>> -> memref<1x512x32xf32, #tpu.memory_space<vmem>>
      %dma_wait3A_277 = tpu.memref_squeeze %dma_wait3A_276 : memref<1x512x32xf32, #tpu.memory_space<vmem>> -> memref<512x32xf32, #tpu.memory_space<vmem>>
      %dma_wait3A_278 = arith.constant 0 : i32
      %dma_wait3A_279 = arith.constant 0 : i32
      %dma_wait3A_280 = tpu.memref_slice %arg2[%dma_wait3A_278, %dma_wait3A_279] : memref<1000000x32xf32, #tpu.memory_space<hbm>> -> memref<512x32xf32, #tpu.memory_space<hbm>>
      tpu.wait_dma2 semaphore(%arg8 : memref<!tpu.dma_semaphore, #tpu.memory_space<semaphore_mem>>) src(%dma_wait3A_280 : memref<512x32xf32, #tpu.memory_space<hbm>>) dst(%dma_wait3A_277 : memref<512x32xf32, #tpu.memory_space<vmem>>)
      %sub3A_281 = arith.constant 2 : i32
      %sub3A_282 = arith.subi %add3A_237, %sub3A_281 : i32
      %mul3A_283 = arith.constant 512 : i32
      %mul3A_284 = arith.muli %sub3A_282, %mul3A_283 : i32
      %add3A_285 = arith.addi %mul3A_2, %mul3A_284 : i32
      %multiple_of3A_286 = tpu.assume_multiple %add3A_285, 512 : i32
      %dma_start3A_287 = arith.constant 0 : i32
      %dma_start3A_288 = arith.constant 0 : i32
      %dma_start3A_289 = arith.constant 0 : i32
      %dma_start3A_290 = tpu.memref_slice %arg6[%dma_start3A_287, %dma_start3A_288, %dma_start3A_289] : memref<4x512x32xf32, #tpu.memory_space<vmem>> -> memref<1x512x32xf32, #tpu.memory_space<vmem>>
      %dma_start3A_291 = tpu.memref_squeeze %dma_start3A_290 : memref<1x512x32xf32, #tpu.memory_space<vmem>> -> memref<512x32xf32, #tpu.memory_space<vmem>>
      %dma_start3A_292 = arith.constant 0 : i32
      %dma_start3A_293 = tpu.memref_slice %arg4[%multiple_of3A_286, %dma_start3A_292] : memref<3276800x32xf32, #tpu.memory_space<hbm>> -> memref<512x32xf32, #tpu.memory_space<hbm>>
      %dma_start3A_294 = arith.constant 0 : i32
      %dma_start3A_295 = tpu.memref_slice %arg4[%multiple_of3A_286, %dma_start3A_294] : memref<3276800x32xf32, #tpu.memory_space<hbm>> -> memref<512x32xf32, #tpu.memory_space<hbm>>
      %dma_start3A_296 = arith.constant 0 : i32
      %dma_start3A_297 = arith.constant 0 : i32
      %dma_start3A_298 = tpu.memref_slice %arg6[%dma_start3A_287, %dma_start3A_296, %dma_start3A_297] : memref<4x512x32xf32, #tpu.memory_space<vmem>> -> memref<1x512x32xf32, #tpu.memory_space<vmem>>
      %dma_start3A_299 = tpu.memref_squeeze %dma_start3A_298 : memref<1x512x32xf32, #tpu.memory_space<vmem>> -> memref<512x32xf32, #tpu.memory_space<vmem>>
      tpu.enqueue_dma source(%dma_start3A_299 : memref<512x32xf32, #tpu.memory_space<vmem>>) target(%dma_start3A_295 : memref<512x32xf32, #tpu.memory_space<hbm>>) target_semaphore(%arg12 : memref<!tpu.dma_semaphore, #tpu.memory_space<semaphore_mem>>)
      %mul3A_300 = arith.constant 4 : i32
      %mul3A_301 = arith.muli %mul3A_300, %scan3A_150 : i32
      %add3A_302 = arith.constant 3 : i32
      %add3A_303 = arith.addi %mul3A_301, %add3A_302 : i32
      %mul3A_304 = arith.constant 4 : i32
      %mul3A_305 = arith.muli %mul3A_304, %rem3A_170 : i32
      %add3A_306 = arith.constant 3 : i32
      %add3A_307 = arith.addi %mul3A_305, %add3A_306 : i32
      %ge3A_308 = arith.constant 1 : i32
      %ge3A_309 = arith.cmpi sge, %scan3A_150, %ge3A_308 : i32
      %convert_element_type3A_310 = arith.extui %ge3A_309 : i1 to i32
      %cond3A_311 = arith.constant 0 : i32
      %cond3A_312 = arith.cmpi ne, %convert_element_type3A_310, %cond3A_311 : i32
      scf.if %cond3A_312 {
        %dma_wait3A_359 = arith.constant 3 : i32
        %dma_wait3A_360 = arith.constant 0 : i32
        %dma_wait3A_361 = arith.constant 0 : i32
        %dma_wait3A_362 = tpu.memref_slice %arg6[%dma_wait3A_359, %dma_wait3A_360, %dma_wait3A_361] : memref<4x512x32xf32, #tpu.memory_space<vmem>> -> memref<1x512x32xf32, #tpu.memory_space<vmem>>
        %dma_wait3A_363 = tpu.memref_squeeze %dma_wait3A_362 : memref<1x512x32xf32, #tpu.memory_space<vmem>> -> memref<512x32xf32, #tpu.memory_space<vmem>>
        %dma_wait3A_364 = arith.constant 0 : i32
        %dma_wait3A_365 = arith.constant 0 : i32
        %dma_wait3A_366 = tpu.memref_slice %arg4[%dma_wait3A_364, %dma_wait3A_365] : memref<3276800x32xf32, #tpu.memory_space<hbm>> -> memref<512x32xf32, #tpu.memory_space<hbm>>
        %dma_wait3A_367 = arith.constant 0 : i32
        %dma_wait3A_368 = arith.constant 0 : i32
        %dma_wait3A_369 = tpu.memref_slice %arg4[%dma_wait3A_367, %dma_wait3A_368] : memref<3276800x32xf32, #tpu.memory_space<hbm>> -> memref<512x32xf32, #tpu.memory_space<hbm>>
        %dma_wait3A_370 = arith.constant 0 : i32
        %dma_wait3A_371 = arith.constant 0 : i32
        %dma_wait3A_372 = tpu.memref_slice %arg6[%dma_wait3A_359, %dma_wait3A_370, %dma_wait3A_371] : memref<4x512x32xf32, #tpu.memory_space<vmem>> -> memref<1x512x32xf32, #tpu.memory_space<vmem>>
        %dma_wait3A_373 = tpu.memref_squeeze %dma_wait3A_372 : memref<1x512x32xf32, #tpu.memory_space<vmem>> -> memref<512x32xf32, #tpu.memory_space<vmem>>
        tpu.wait_dma2 semaphore(%arg15 : memref<!tpu.dma_semaphore, #tpu.memory_space<semaphore_mem>>) src(%dma_wait3A_373 : memref<512x32xf32, #tpu.memory_space<vmem>>) dst(%dma_wait3A_369 : memref<512x32xf32, #tpu.memory_space<hbm>>)
      } else {
      }
      %mul3A_313 = arith.constant 512 : i32
      %mul3A_314 = arith.muli %add3A_307, %mul3A_313 : i32
      %dma_start3A_315 = arith.constant 3 : i32
      %dma_start3A_316 = arith.constant 0 : i32
      %dma_start3A_317 = arith.constant 0 : i32
      %dma_start3A_318 = tpu.memref_slice %arg6[%dma_start3A_315, %dma_start3A_316, %dma_start3A_317] : memref<4x512x32xf32, #tpu.memory_space<vmem>> -> memref<1x512x32xf32, #tpu.memory_space<vmem>>
      %dma_start3A_319 = tpu.memref_squeeze %dma_start3A_318 : memref<1x512x32xf32, #tpu.memory_space<vmem>> -> memref<512x32xf32, #tpu.memory_space<vmem>>
      %dma_start3A_320 = tpu.memref_slice %arg5[%rem3A_168, %mul3A_314] : memref<2x4096xi32, #tpu.memory_space<vmem>> -> memref<1x512xi32, #tpu.memory_space<vmem>>
      %dma_start3A_321 = tpu.memref_squeeze %dma_start3A_320 : memref<1x512xi32, #tpu.memory_space<vmem>> -> memref<512xi32, #tpu.memory_space<vmem>>
      %dma_start3A_322 = arith.constant 0 : i32
      %dma_start3A_323 = arith.constant 0 : i32
      %dma_start3A_324 = tpu.memref_slice %arg2[%dma_start3A_322, %dma_start3A_323] : memref<1000000x32xf32, #tpu.memory_space<hbm>> -> memref<1000000x32xf32, #tpu.memory_space<hbm>>
      tpu.enqueue_indirect_dma source(%dma_start3A_324 : memref<1000000x32xf32, #tpu.memory_space<hbm>>) target(%dma_start3A_319 : memref<512x32xf32, #tpu.memory_space<vmem>>) offsets(%dma_start3A_321 : memref<512xi32, #tpu.memory_space<vmem>>) semaphore(%arg11 : memref<!tpu.dma_semaphore, #tpu.memory_space<semaphore_mem>>)
      %dma_wait3A_325 = arith.constant 1 : i32
      %dma_wait3A_326 = arith.constant 0 : i32
      %dma_wait3A_327 = arith.constant 0 : i32
      %dma_wait3A_328 = tpu.memref_slice %arg6[%dma_wait3A_325, %dma_wait3A_326, %dma_wait3A_327] : memref<4x512x32xf32, #tpu.memory_space<vmem>> -> memref<1x512x32xf32, #tpu.memory_space<vmem>>
      %dma_wait3A_329 = tpu.memref_squeeze %dma_wait3A_328 : memref<1x512x32xf32, #tpu.memory_space<vmem>> -> memref<512x32xf32, #tpu.memory_space<vmem>>
      %dma_wait3A_330 = arith.constant 0 : i32
      %dma_wait3A_331 = arith.constant 0 : i32
      %dma_wait3A_332 = tpu.memref_slice %arg2[%dma_wait3A_330, %dma_wait3A_331] : memref<1000000x32xf32, #tpu.memory_space<hbm>> -> memref<512x32xf32, #tpu.memory_space<hbm>>
      %dma_wait3A_333 = arith.constant 0 : i32
      %dma_wait3A_334 = arith.constant 0 : i32
      %dma_wait3A_335 = tpu.memref_slice %arg6[%dma_wait3A_325, %dma_wait3A_333, %dma_wait3A_334] : memref<4x512x32xf32, #tpu.memory_space<vmem>> -> memref<1x512x32xf32, #tpu.memory_space<vmem>>
      %dma_wait3A_336 = tpu.memref_squeeze %dma_wait3A_335 : memref<1x512x32xf32, #tpu.memory_space<vmem>> -> memref<512x32xf32, #tpu.memory_space<vmem>>
      %dma_wait3A_337 = arith.constant 0 : i32
      %dma_wait3A_338 = arith.constant 0 : i32
      %dma_wait3A_339 = tpu.memref_slice %arg2[%dma_wait3A_337, %dma_wait3A_338] : memref<1000000x32xf32, #tpu.memory_space<hbm>> -> memref<512x32xf32, #tpu.memory_space<hbm>>
      tpu.wait_dma2 semaphore(%arg9 : memref<!tpu.dma_semaphore, #tpu.memory_space<semaphore_mem>>) src(%dma_wait3A_339 : memref<512x32xf32, #tpu.memory_space<hbm>>) dst(%dma_wait3A_336 : memref<512x32xf32, #tpu.memory_space<vmem>>)
      %sub3A_340 = arith.constant 2 : i32
      %sub3A_341 = arith.subi %add3A_303, %sub3A_340 : i32
      %mul3A_342 = arith.constant 512 : i32
      %mul3A_343 = arith.muli %sub3A_341, %mul3A_342 : i32
      %add3A_344 = arith.addi %mul3A_2, %mul3A_343 : i32
      %multiple_of3A_345 = tpu.assume_multiple %add3A_344, 512 : i32
      %dma_start3A_346 = arith.constant 1 : i32
      %dma_start3A_347 = arith.constant 0 : i32
      %dma_start3A_348 = arith.constant 0 : i32
      %dma_start3A_349 = tpu.memref_slice %arg6[%dma_start3A_346, %dma_start3A_347, %dma_start3A_348] : memref<4x512x32xf32, #tpu.memory_space<vmem>> -> memref<1x512x32xf32, #tpu.memory_space<vmem>>
      %dma_start3A_350 = tpu.memref_squeeze %dma_start3A_349 : memref<1x512x32xf32, #tpu.memory_space<vmem>> -> memref<512x32xf32, #tpu.memory_space<vmem>>
      %dma_start3A_351 = arith.constant 0 : i32
      %dma_start3A_352 = tpu.memref_slice %arg4[%multiple_of3A_345, %dma_start3A_351] : memref<3276800x32xf32, #tpu.memory_space<hbm>> -> memref<512x32xf32, #tpu.memory_space<hbm>>
      %dma_start3A_353 = arith.constant 0 : i32
      %dma_start3A_354 = tpu.memref_slice %arg4[%multiple_of3A_345, %dma_start3A_353] : memref<3276800x32xf32, #tpu.memory_space<hbm>> -> memref<512x32xf32, #tpu.memory_space<hbm>>
      %dma_start3A_355 = arith.constant 0 : i32
      %dma_start3A_356 = arith.constant 0 : i32
      %dma_start3A_357 = tpu.memref_slice %arg6[%dma_start3A_346, %dma_start3A_355, %dma_start3A_356] : memref<4x512x32xf32, #tpu.memory_space<vmem>> -> memref<1x512x32xf32, #tpu.memory_space<vmem>>
      %dma_start3A_358 = tpu.memref_squeeze %dma_start3A_357 : memref<1x512x32xf32, #tpu.memory_space<vmem>> -> memref<512x32xf32, #tpu.memory_space<vmem>>
      tpu.enqueue_dma source(%dma_start3A_358 : memref<512x32xf32, #tpu.memory_space<vmem>>) target(%dma_start3A_354 : memref<512x32xf32, #tpu.memory_space<hbm>>) target_semaphore(%arg13 : memref<!tpu.dma_semaphore, #tpu.memory_space<semaphore_mem>>)
    }
    %scan3A_27 = arith.constant 50 : i32
    %dma_wait3A_28 = arith.constant 2 : i32
    %dma_wait3A_29 = arith.constant 0 : i32
    %dma_wait3A_30 = arith.constant 0 : i32
    %dma_wait3A_31 = tpu.memref_slice %arg6[%dma_wait3A_28, %dma_wait3A_29, %dma_wait3A_30] : memref<4x512x32xf32, #tpu.memory_space<vmem>> -> memref<1x512x32xf32, #tpu.memory_space<vmem>>
    %dma_wait3A_32 = tpu.memref_squeeze %dma_wait3A_31 : memref<1x512x32xf32, #tpu.memory_space<vmem>> -> memref<512x32xf32, #tpu.memory_space<vmem>>
    %dma_wait3A_33 = arith.constant 0 : i32
    %dma_wait3A_34 = arith.constant 0 : i32
    %dma_wait3A_35 = tpu.memref_slice %arg2[%dma_wait3A_33, %dma_wait3A_34] : memref<1000000x32xf32, #tpu.memory_space<hbm>> -> memref<512x32xf32, #tpu.memory_space<hbm>>
    %dma_wait3A_36 = arith.constant 0 : i32
    %dma_wait3A_37 = arith.constant 0 : i32
    %dma_wait3A_38 = tpu.memref_slice %arg6[%dma_wait3A_28, %dma_wait3A_36, %dma_wait3A_37] : memref<4x512x32xf32, #tpu.memory_space<vmem>> -> memref<1x512x32xf32, #tpu.memory_space<vmem>>
    %dma_wait3A_39 = tpu.memref_squeeze %dma_wait3A_38 : memref<1x512x32xf32, #tpu.memory_space<vmem>> -> memref<512x32xf32, #tpu.memory_space<vmem>>
    %dma_wait3A_40 = arith.constant 0 : i32
    %dma_wait3A_41 = arith.constant 0 : i32
    %dma_wait3A_42 = tpu.memref_slice %arg2[%dma_wait3A_40, %dma_wait3A_41] : memref<1000000x32xf32, #tpu.memory_space<hbm>> -> memref<512x32xf32, #tpu.memory_space<hbm>>
    tpu.wait_dma2 semaphore(%arg10 : memref<!tpu.dma_semaphore, #tpu.memory_space<semaphore_mem>>) src(%dma_wait3A_42 : memref<512x32xf32, #tpu.memory_space<hbm>>) dst(%dma_wait3A_39 : memref<512x32xf32, #tpu.memory_space<vmem>>)
    %add3A_43 = arith.constant 101376 : i32
    %add3A_44 = arith.addi %mul3A_2, %add3A_43 : i32
    %multiple_of3A_45 = tpu.assume_multiple %add3A_44, 512 : i32
    %dma_start3A_46 = arith.constant 2 : i32
    %dma_start3A_47 = arith.constant 0 : i32
    %dma_start3A_48 = arith.constant 0 : i32
    %dma_start3A_49 = tpu.memref_slice %arg6[%dma_start3A_46, %dma_start3A_47, %dma_start3A_48] : memref<4x512x32xf32, #tpu.memory_space<vmem>> -> memref<1x512x32xf32, #tpu.memory_space<vmem>>
    %dma_start3A_50 = tpu.memref_squeeze %dma_start3A_49 : memref<1x512x32xf32, #tpu.memory_space<vmem>> -> memref<512x32xf32, #tpu.memory_space<vmem>>
    %dma_start3A_51 = arith.constant 0 : i32
    %dma_start3A_52 = tpu.memref_slice %arg4[%multiple_of3A_45, %dma_start3A_51] : memref<3276800x32xf32, #tpu.memory_space<hbm>> -> memref<512x32xf32, #tpu.memory_space<hbm>>
    %dma_start3A_53 = arith.constant 0 : i32
    %dma_start3A_54 = tpu.memref_slice %arg4[%multiple_of3A_45, %dma_start3A_53] : memref<3276800x32xf32, #tpu.memory_space<hbm>> -> memref<512x32xf32, #tpu.memory_space<hbm>>
    %dma_start3A_55 = arith.constant 0 : i32
    %dma_start3A_56 = arith.constant 0 : i32
    %dma_start3A_57 = tpu.memref_slice %arg6[%dma_start3A_46, %dma_start3A_55, %dma_start3A_56] : memref<4x512x32xf32, #tpu.memory_space<vmem>> -> memref<1x512x32xf32, #tpu.memory_space<vmem>>
    %dma_start3A_58 = tpu.memref_squeeze %dma_start3A_57 : memref<1x512x32xf32, #tpu.memory_space<vmem>> -> memref<512x32xf32, #tpu.memory_space<vmem>>
    tpu.enqueue_dma source(%dma_start3A_58 : memref<512x32xf32, #tpu.memory_space<vmem>>) target(%dma_start3A_54 : memref<512x32xf32, #tpu.memory_space<hbm>>) target_semaphore(%arg14 : memref<!tpu.dma_semaphore, #tpu.memory_space<semaphore_mem>>)
    %dma_wait3A_59 = arith.constant 3 : i32
    %dma_wait3A_60 = arith.constant 0 : i32
    %dma_wait3A_61 = arith.constant 0 : i32
    %dma_wait3A_62 = tpu.memref_slice %arg6[%dma_wait3A_59, %dma_wait3A_60, %dma_wait3A_61] : memref<4x512x32xf32, #tpu.memory_space<vmem>> -> memref<1x512x32xf32, #tpu.memory_space<vmem>>
    %dma_wait3A_63 = tpu.memref_squeeze %dma_wait3A_62 : memref<1x512x32xf32, #tpu.memory_space<vmem>> -> memref<512x32xf32, #tpu.memory_space<vmem>>
    %dma_wait3A_64 = arith.constant 0 : i32
    %dma_wait3A_65 = arith.constant 0 : i32
    %dma_wait3A_66 = tpu.memref_slice %arg2[%dma_wait3A_64, %dma_wait3A_65] : memref<1000000x32xf32, #tpu.memory_space<hbm>> -> memref<512x32xf32, #tpu.memory_space<hbm>>
    %dma_wait3A_67 = arith.constant 0 : i32
    %dma_wait3A_68 = arith.constant 0 : i32
    %dma_wait3A_69 = tpu.memref_slice %arg6[%dma_wait3A_59, %dma_wait3A_67, %dma_wait3A_68] : memref<4x512x32xf32, #tpu.memory_space<vmem>> -> memref<1x512x32xf32, #tpu.memory_space<vmem>>
    %dma_wait3A_70 = tpu.memref_squeeze %dma_wait3A_69 : memref<1x512x32xf32, #tpu.memory_space<vmem>> -> memref<512x32xf32, #tpu.memory_space<vmem>>
    %dma_wait3A_71 = arith.constant 0 : i32
    %dma_wait3A_72 = arith.constant 0 : i32
    %dma_wait3A_73 = tpu.memref_slice %arg2[%dma_wait3A_71, %dma_wait3A_72] : memref<1000000x32xf32, #tpu.memory_space<hbm>> -> memref<512x32xf32, #tpu.memory_space<hbm>>
    tpu.wait_dma2 semaphore(%arg11 : memref<!tpu.dma_semaphore, #tpu.memory_space<semaphore_mem>>) src(%dma_wait3A_73 : memref<512x32xf32, #tpu.memory_space<hbm>>) dst(%dma_wait3A_70 : memref<512x32xf32, #tpu.memory_space<vmem>>)
    %add3A_74 = arith.constant 101888 : i32
    %add3A_75 = arith.addi %mul3A_2, %add3A_74 : i32
    %multiple_of3A_76 = tpu.assume_multiple %add3A_75, 512 : i32
    %dma_start3A_77 = arith.constant 3 : i32
    %dma_start3A_78 = arith.constant 0 : i32
    %dma_start3A_79 = arith.constant 0 : i32
    %dma_start3A_80 = tpu.memref_slice %arg6[%dma_start3A_77, %dma_start3A_78, %dma_start3A_79] : memref<4x512x32xf32, #tpu.memory_space<vmem>> -> memref<1x512x32xf32, #tpu.memory_space<vmem>>
    %dma_start3A_81 = tpu.memref_squeeze %dma_start3A_80 : memref<1x512x32xf32, #tpu.memory_space<vmem>> -> memref<512x32xf32, #tpu.memory_space<vmem>>
    %dma_start3A_82 = arith.constant 0 : i32
    %dma_start3A_83 = tpu.memref_slice %arg4[%multiple_of3A_76, %dma_start3A_82] : memref<3276800x32xf32, #tpu.memory_space<hbm>> -> memref<512x32xf32, #tpu.memory_space<hbm>>
    %dma_start3A_84 = arith.constant 0 : i32
    %dma_start3A_85 = tpu.memref_slice %arg4[%multiple_of3A_76, %dma_start3A_84] : memref<3276800x32xf32, #tpu.memory_space<hbm>> -> memref<512x32xf32, #tpu.memory_space<hbm>>
    %dma_start3A_86 = arith.constant 0 : i32
    %dma_start3A_87 = arith.constant 0 : i32
    %dma_start3A_88 = tpu.memref_slice %arg6[%dma_start3A_77, %dma_start3A_86, %dma_start3A_87] : memref<4x512x32xf32, #tpu.memory_space<vmem>> -> memref<1x512x32xf32, #tpu.memory_space<vmem>>
    %dma_start3A_89 = tpu.memref_squeeze %dma_start3A_88 : memref<1x512x32xf32, #tpu.memory_space<vmem>> -> memref<512x32xf32, #tpu.memory_space<vmem>>
    tpu.enqueue_dma source(%dma_start3A_89 : memref<512x32xf32, #tpu.memory_space<vmem>>) target(%dma_start3A_85 : memref<512x32xf32, #tpu.memory_space<hbm>>) target_semaphore(%arg15 : memref<!tpu.dma_semaphore, #tpu.memory_space<semaphore_mem>>)
    %dma_wait3A_90 = arith.constant 0 : i32
    %dma_wait3A_91 = arith.constant 0 : i32
    %dma_wait3A_92 = arith.constant 0 : i32
    %dma_wait3A_93 = tpu.memref_slice %arg6[%dma_wait3A_90, %dma_wait3A_91, %dma_wait3A_92] : memref<4x512x32xf32, #tpu.memory_space<vmem>> -> memref<1x512x32xf32, #tpu.memory_space<vmem>>
    %dma_wait3A_94 = tpu.memref_squeeze %dma_wait3A_93 : memref<1x512x32xf32, #tpu.memory_space<vmem>> -> memref<512x32xf32, #tpu.memory_space<vmem>>
    %dma_wait3A_95 = arith.constant 0 : i32
    %dma_wait3A_96 = arith.constant 0 : i32
    %dma_wait3A_97 = tpu.memref_slice %arg4[%dma_wait3A_95, %dma_wait3A_96] : memref<3276800x32xf32, #tpu.memory_space<hbm>> -> memref<512x32xf32, #tpu.memory_space<hbm>>
    %dma_wait3A_98 = arith.constant 0 : i32
    %dma_wait3A_99 = arith.constant 0 : i32
    %dma_wait3A_100 = tpu.memref_slice %arg4[%dma_wait3A_98, %dma_wait3A_99] : memref<3276800x32xf32, #tpu.memory_space<hbm>> -> memref<512x32xf32, #tpu.memory_space<hbm>>
    %dma_wait3A_101 = arith.constant 0 : i32
    %dma_wait3A_102 = arith.constant 0 : i32
    %dma_wait3A_103 = tpu.memref_slice %arg6[%dma_wait3A_90, %dma_wait3A_101, %dma_wait3A_102] : memref<4x512x32xf32, #tpu.memory_space<vmem>> -> memref<1x512x32xf32, #tpu.memory_space<vmem>>
    %dma_wait3A_104 = tpu.memref_squeeze %dma_wait3A_103 : memref<1x512x32xf32, #tpu.memory_space<vmem>> -> memref<512x32xf32, #tpu.memory_space<vmem>>
    tpu.wait_dma2 semaphore(%arg12 : memref<!tpu.dma_semaphore, #tpu.memory_space<semaphore_mem>>) src(%dma_wait3A_104 : memref<512x32xf32, #tpu.memory_space<vmem>>) dst(%dma_wait3A_100 : memref<512x32xf32, #tpu.memory_space<hbm>>)
    %dma_wait3A_105 = arith.constant 1 : i32
    %dma_wait3A_106 = arith.constant 0 : i32
    %dma_wait3A_107 = arith.constant 0 : i32
    %dma_wait3A_108 = tpu.memref_slice %arg6[%dma_wait3A_105, %dma_wait3A_106, %dma_wait3A_107] : memref<4x512x32xf32, #tpu.memory_space<vmem>> -> memref<1x512x32xf32, #tpu.memory_space<vmem>>
    %dma_wait3A_109 = tpu.memref_squeeze %dma_wait3A_108 : memref<1x512x32xf32, #tpu.memory_space<vmem>> -> memref<512x32xf32, #tpu.memory_space<vmem>>
    %dma_wait3A_110 = arith.constant 0 : i32
    %dma_wait3A_111 = arith.constant 0 : i32
    %dma_wait3A_112 = tpu.memref_slice %arg4[%dma_wait3A_110, %dma_wait3A_111] : memref<3276800x32xf32, #tpu.memory_space<hbm>> -> memref<512x32xf32, #tpu.memory_space<hbm>>
    %dma_wait3A_113 = arith.constant 0 : i32
    %dma_wait3A_114 = arith.constant 0 : i32
    %dma_wait3A_115 = tpu.memref_slice %arg4[%dma_wait3A_113, %dma_wait3A_114] : memref<3276800x32xf32, #tpu.memory_space<hbm>> -> memref<512x32xf32, #tpu.memory_space<hbm>>
    %dma_wait3A_116 = arith.constant 0 : i32
    %dma_wait3A_117 = arith.constant 0 : i32
    %dma_wait3A_118 = tpu.memref_slice %arg6[%dma_wait3A_105, %dma_wait3A_116, %dma_wait3A_117] : memref<4x512x32xf32, #tpu.memory_space<vmem>> -> memref<1x512x32xf32, #tpu.memory_space<vmem>>
    %dma_wait3A_119 = tpu.memref_squeeze %dma_wait3A_118 : memref<1x512x32xf32, #tpu.memory_space<vmem>> -> memref<512x32xf32, #tpu.memory_space<vmem>>
    tpu.wait_dma2 semaphore(%arg13 : memref<!tpu.dma_semaphore, #tpu.memory_space<semaphore_mem>>) src(%dma_wait3A_119 : memref<512x32xf32, #tpu.memory_space<vmem>>) dst(%dma_wait3A_115 : memref<512x32xf32, #tpu.memory_space<hbm>>)
    %dma_wait3A_120 = arith.constant 2 : i32
    %dma_wait3A_121 = arith.constant 0 : i32
    %dma_wait3A_122 = arith.constant 0 : i32
    %dma_wait3A_123 = tpu.memref_slice %arg6[%dma_wait3A_120, %dma_wait3A_121, %dma_wait3A_122] : memref<4x512x32xf32, #tpu.memory_space<vmem>> -> memref<1x512x32xf32, #tpu.memory_space<vmem>>
    %dma_wait3A_124 = tpu.memref_squeeze %dma_wait3A_123 : memref<1x512x32xf32, #tpu.memory_space<vmem>> -> memref<512x32xf32, #tpu.memory_space<vmem>>
    %dma_wait3A_125 = arith.constant 0 : i32
    %dma_wait3A_126 = arith.constant 0 : i32
    %dma_wait3A_127 = tpu.memref_slice %arg4[%dma_wait3A_125, %dma_wait3A_126] : memref<3276800x32xf32, #tpu.memory_space<hbm>> -> memref<512x32xf32, #tpu.memory_space<hbm>>
    %dma_wait3A_128 = arith.constant 0 : i32
    %dma_wait3A_129 = arith.constant 0 : i32
    %dma_wait3A_130 = tpu.memref_slice %arg4[%dma_wait3A_128, %dma_wait3A_129] : memref<3276800x32xf32, #tpu.memory_space<hbm>> -> memref<512x32xf32, #tpu.memory_space<hbm>>
    %dma_wait3A_131 = arith.constant 0 : i32
    %dma_wait3A_132 = arith.constant 0 : i32
    %dma_wait3A_133 = tpu.memref_slice %arg6[%dma_wait3A_120, %dma_wait3A_131, %dma_wait3A_132] : memref<4x512x32xf32, #tpu.memory_space<vmem>> -> memref<1x512x32xf32, #tpu.memory_space<vmem>>
    %dma_wait3A_134 = tpu.memref_squeeze %dma_wait3A_133 : memref<1x512x32xf32, #tpu.memory_space<vmem>> -> memref<512x32xf32, #tpu.memory_space<vmem>>
    tpu.wait_dma2 semaphore(%arg14 : memref<!tpu.dma_semaphore, #tpu.memory_space<semaphore_mem>>) src(%dma_wait3A_134 : memref<512x32xf32, #tpu.memory_space<vmem>>) dst(%dma_wait3A_130 : memref<512x32xf32, #tpu.memory_space<hbm>>)
    %dma_wait3A_135 = arith.constant 3 : i32
    %dma_wait3A_136 = arith.constant 0 : i32
    %dma_wait3A_137 = arith.constant 0 : i32
    %dma_wait3A_138 = tpu.memref_slice %arg6[%dma_wait3A_135, %dma_wait3A_136, %dma_wait3A_137] : memref<4x512x32xf32, #tpu.memory_space<vmem>> -> memref<1x512x32xf32, #tpu.memory_space<vmem>>
    %dma_wait3A_139 = tpu.memref_squeeze %dma_wait3A_138 : memref<1x512x32xf32, #tpu.memory_space<vmem>> -> memref<512x32xf32, #tpu.memory_space<vmem>>
    %dma_wait3A_140 = arith.constant 0 : i32
    %dma_wait3A_141 = arith.constant 0 : i32
    %dma_wait3A_142 = tpu.memref_slice %arg4[%dma_wait3A_140, %dma_wait3A_141] : memref<3276800x32xf32, #tpu.memory_space<hbm>> -> memref<512x32xf32, #tpu.memory_space<hbm>>
    %dma_wait3A_143 = arith.constant 0 : i32
    %dma_wait3A_144 = arith.constant 0 : i32
    %dma_wait3A_145 = tpu.memref_slice %arg4[%dma_wait3A_143, %dma_wait3A_144] : memref<3276800x32xf32, #tpu.memory_space<hbm>> -> memref<512x32xf32, #tpu.memory_space<hbm>>
    %dma_wait3A_146 = arith.constant 0 : i32
    %dma_wait3A_147 = arith.constant 0 : i32
    %dma_wait3A_148 = tpu.memref_slice %arg6[%dma_wait3A_135, %dma_wait3A_146, %dma_wait3A_147] : memref<4x512x32xf32, #tpu.memory_space<vmem>> -> memref<1x512x32xf32, #tpu.memory_space<vmem>>
    %dma_wait3A_149 = tpu.memref_squeeze %dma_wait3A_148 : memref<1x512x32xf32, #tpu.memory_space<vmem>> -> memref<512x32xf32, #tpu.memory_space<vmem>>
    tpu.wait_dma2 semaphore(%arg15 : memref<!tpu.dma_semaphore, #tpu.memory_space<semaphore_mem>>) src(%dma_wait3A_149 : memref<512x32xf32, #tpu.memory_space<vmem>>) dst(%dma_wait3A_145 : memref<512x32xf32, #tpu.memory_space<hbm>>)
    return
  }
}

</mosaic_0001>

<sc_bundles>
// kernel: kernel.3.cloned.1.call-start
scs
__scs_entry_jumppad:
0x0: {  	(pc) =	sbr.rel $0x88, $3  }
0x1: {  	(tag) =	ssettag $0x0;
	lr =	simm.s32 $0x1  }
0x2: {  	[smem:$0x3F9F] =	sst lr;
	_ =	strace $0xD0000000  }
0x3: {  	_ = 	snop  }
0x4: {  	_ = 	snop  }
0x5: {  	_ = 	snop  }
0x6: {  	_ = 	snop  }
0x7: {  	_ = 	snop  }
__scs_overlays_trampoline_lowered:
0x8: {  	[smem:$0x3FAE] =	sst s0  }
0x9: {  	[smem:$0x3FAF] =	sst s1  }
0xa: {  	[smem:$0x3FB0] =	sst s2  }
0xb: {  	[smem:$0x3FB1] =	sst s3  }
0xc: {  	[smem:$0x3FB2] =	sst s4  }
0xd: {  	[smem:$0x3FB3] =	sst s5  }
0xe: {  	[smem:$0x3FB4] =	sst s6  }
0xf: {  	[smem:$0x3FB5] =	sst s7  }
0x10: {  	[smem:$0x3FB6] =	sst s8  }
0x11: {  	[smem:$0x3FB7] =	sst s9;
	s0 =	simm.s32 @!p0 $0x0  }
0x12: {  	s1 =	sld [smem:$0x3F9D];
	s0 =	simm.s32 @p0 $0x1  }
0x13: {  	[smem:$0x3FB8] =	sst s0;
	s0 =	simm.s32 @!p1 $0x0  }
0x14: {  	s2 =	sld [smem:$0x3F9C];
	s0 =	simm.s32 @p1 $0x1  }
0x15: {  	[smem:$0x3FB9] =	sst s0;
	s0 =	simm.s32 @!p2 $0x0  }
0x16: {  	s3 =	sld [smem:$0x3FDB];
	s0 =	simm.s32 @p2 $0x1  }
0x17: {  	s4 =	simm.s32 $0x1BF5;
	[smem:$0x3FBB] =	sst s0  }
0x18: {  	s0 =	sld [smem:$0x3F9E];
	_ =	swait.ge [sflag:s4], $0x0  }
0x19: {  	s7 =	sld [smem:$0x3F9F]  }
0x1a: {  	s8 =	sadd.s32 $0xFFFFE003, lr  }
0x1b: {  	s9 =	sadd.s32 $0xFFFFFEF7, lr;
	s5 =	simm.s32 $0xFFFFFFFF;
	p2 =	slt.u32 s8, $0xFFFFF086  }
0x1c: {  	p1 =	slt.u32 s9, $0xF7A;
	s5 =	simm.s32 @!p2 $0x0  }
0x1d: {  	s5 =	simm.s32 @p1 $0x1;
	p0 =	seq.s32 s7, s2  }
0x1e: {  	s7 =	smul.u32 @!p0 $0xF7A, s2;
	p2 =	seq.s32 @!p0 s5, $0x0  }
0x1f: {  	s9 =	smul.u32 $0xF7A, s1;
	s8 =	simm.s32 @!p0 $0x1BF5;
	p2 =	por !p2, p0  }
0x20: {  	[sflag:s8] =	ssyncset.s32 @!p0 $0xFFFFF086;
	s6 =	sadd.s32 @!p0 s3, s7;
	s7 =	simm.s32 @!p0 $0x108  }
0x21: {  	s3 =	sadd.s32 s3, s9;
	s6 =	sadd.s32 @!p0 $0x88, s6;
	s7 =	simm.s32 @p2 $0x1082  }
0x22: {  	[simem:s7], [sflag:s8] =	dma.local @!p0 [hbm:s6], $0xF7A  }
0x23: {  	s9 =	sor.u32 $0xD0000000, s2;
	s6 =	simm.s32 $0x108;
	_ =	swait.ge @!p0 [sflag:s8], $0x0  }
0x24: {  	s3 =	sadd.s32 $0x88, s3;
	s6 =	simm.s32 @!p1 $0x1082;
	[sflag:s4] =	ssyncset.s32 $0xFFFFF086  }
0x25: {  	[simem:s6], [sflag:s4] =	dma.local [hbm:s3], $0xF7A  }
0x26: {  	[smem:$0x3F9F] =	sst s1;
	(tag) =	ssettag s2;
	_ =	strace s9  }
0x27: {  	s1 =	sld [smem:$0x3FAF]  }
0x28: {  	s2 =	sld [smem:$0x3FB0]  }
0x29: {  	s4 =	sld [smem:$0x3FB2]  }
0x2a: {  	p0 =	seq.s32 s5, $0x0;
	s5 =	sld [smem:$0x3FB3]  }
0x2b: {  	s6 =	sld [smem:$0x3FB4]  }
0x2c: {  	s7 =	sld [smem:$0x3FB5]  }
0x2d: {  	s3 =	simm.s32 $0x108;
	s8 =	sld [smem:$0x3FB6]  }
0x2e: {  	s3 =	simm.s32 @!p0 $0x1082;
	s9 =	sld [smem:$0x3FB7]  }
0x2f: {  	lr =	sadd.s32 s0, s3;
	s0 =	sld [smem:$0x3FAE]  }
0x30: {  	s3 =	sld [smem:$0x3FB1]  }
0x31: {  	[smem:$0x3FBA] =	sst s10  }
0x32: {  	s10 =	sld [smem:$0x3FB8];
	_ =	sdelay $0x3  }
0x33: {  	p0 =	seq.s32 s10, $0x1;
	s10 =	sld [smem:$0x3FBA];
	_ =	sdelay $0x3  }
0x34: {  	[smem:$0x3FBA] =	sst s10  }
0x35: {  	s10 =	sld [smem:$0x3FB9];
	_ =	sdelay $0x3  }
0x36: {  	p1 =	seq.s32 s10, $0x1;
	s10 =	sld [smem:$0x3FBA];
	_ =	sdelay $0x3  }
0x37: {  	[smem:$0x3FBA] =	sst s10  }
0x38: {  	s10 =	sld [smem:$0x3FBB]  }
0x39: {  	_ = 	snop;
	(pc) =	sbr.ind lr, $3  }
0x3a: {  	_ = 	snop  }
0x3b: {  	_ = 	snop  }
0x3c: {  	p2 =	seq.s32 s10, $0x1;
	s10 =	sld [smem:$0x3FBA]  }
0x3d: {  	_ =	shalt  }
0x3e: {  	_ =	shalt  }
0x3f: {  	_ =	shalt  }
0x40: {  	_ =	shalt  }
0x41: {  	_ =	shalt  }
0x42: {  	_ =	shalt  }
0x43: {  	_ =	shalt  }
0x44: {  	_ =	shalt  }
0x45: {  	_ =	shalt  }
0x46: {  	_ =	shalt  }
0x47: {  	_ =	shalt  }
0x48: {  	_ =	shalt  }
0x49: {  	_ =	shalt  }
0x4a: {  	_ =	shalt  }
0x4b: {  	_ =	shalt  }
0x4c: {  	_ =	shalt  }
0x4d: {  	_ =	shalt  }
0x4e: {  	_ =	shalt  }
0x4f: {  	_ =	shalt  }
0x50: {  	_ =	shalt  }
0x51: {  	_ =	shalt  }
0x52: {  	_ =	shalt  }
0x53: {  	_ =	shalt  }
0x54: {  	_ =	shalt  }
0x55: {  	_ =	shalt  }
0x56: {  	_ =	shalt  }
0x57: {  	_ =	shalt  }
0x58: {  	_ =	shalt  }
0x59: {  	_ =	shalt  }
0x5a: {  	_ =	shalt  }
0x5b: {  	_ =	shalt  }
0x5c: {  	_ =	shalt  }
0x5d: {  	_ =	shalt  }
0x5e: {  	_ =	shalt  }
0x5f: {  	_ =	shalt  }
0x60: {  	_ =	shalt  }
0x61: {  	_ =	shalt  }
0x62: {  	_ =	shalt  }
0x63: {  	_ =	shalt  }
0x64: {  	_ =	shalt  }
0x65: {  	_ =	shalt  }
0x66: {  	_ =	shalt  }
0x67: {  	_ =	shalt  }
0x68: {  	_ =	shalt  }
0x69: {  	_ =	shalt  }
0x6a: {  	_ =	shalt  }
0x6b: {  	_ =	shalt  }
0x6c: {  	_ =	shalt  }
0x6d: {  	_ =	shalt  }
0x6e: {  	_ =	shalt  }
0x6f: {  	_ =	shalt  }
0x70: {  	_ =	shalt  }
0x71: {  	_ =	shalt  }
0x72: {  	_ =	shalt  }
0x73: {  	_ =	shalt  }
0x74: {  	_ =	shalt  }
0x75: {  	_ =	shalt  }
0x76: {  	_ =	shalt  }
0x77: {  	_ =	shalt  }
0x78: {  	_ =	shalt  }
0x79: {  	_ =	shalt  }
0x7a: {  	_ =	shalt  }
0x7b: {  	_ =	shalt  }
0x7c: {  	_ =	shalt  }
0x7d: {  	_ =	shalt  }
0x7e: {  	_ =	shalt  }
0x7f: {  	_ =	shalt  }
0x80: {  	_ =	shalt  }
0x81: {  	_ =	shalt  }
0x82: {  	_ =	shalt  }
0x83: {  	_ =	shalt  }
0x84: {  	_ =	shalt  }
0x85: {  	_ =	shalt  }
0x86: {  	_ =	shalt  }
0x87: {  	_ =	shalt  }
.Lfunc_end0:
.L_simem_size_0:
called_computation.1_lowered:
.L_overlay_start_0:
0x88: {  	s2 =	sld [smem:$0x3FD9]  }
0x89: {  	s3 =	sld [smem:$0x3FFE];
	_ =	sdelay $0x1  }
0x8a: {  	s1 =	srdreg.scid  }
0x8b: {  	s0 =	sand.u32 $0x1, s1  }
0x8c: {  	s17 =	sshll.u32 s0, $0xA;
	s2 =	sadd.s32 s3, s2  }
0x8d: {  	s2 =	sadd.s32 s2, s17  }
0x8e: {  	[smem:$0x3FC6] =	sst s2  }
0x8f: {  	_ = 	snop  }
0x90: {  	s2 =	sld [smem:$0x3FD0];
	(tm) =	ssettm $0x1  }
0x91: {  	s18 =	sld [smem:$0x3FFB];
	_ =	sdelay $0x3  }
0x92: {  	_ =	strace s18  }
0x93: {  	s3 =	sld [smem:$0x3FFC];
	_ =	sdelay $0x3  }
0x94: {  	_ =	strace s3  }
0x95: {  	s3 =	sld [smem:$0x3FFD];
	_ =	sdelay $0x3  }
0x96: {  	_ =	strace s3  }
0x97: {  	_ =	strace $0x8FFFFFFF  }
0x98: {  	s19 =	sld [smem:$0x3FDB];
	_ =	sdelay $0x1  }
0x99: {  	s4 =	simm.s32 $_scs_section_size  }
0x9a: {  	s5 =	simm.s32 $_size__tile_overlayer_lowered;
	s6 =	simm.s32 $_tile_overlayer_lowered  }
0x9b: {  	s22 =	simm.s32 $0x1BFF;
	s21 =	sshll.u32 s6, $0x1;
	s3 =	sadd.s32 s4, s19  }
0x9c: {  	s7 =	simm.s32 $0x0;
	s20 =	sshll.u32 s5, $0x1;
	s5 =	sadd.s32 s21, s3  }
0x9d: {  	[timem:s7], [sflag:s22] =	dma.local [hbm:s5], s20  }
0x9e: {  	_ =	swait.ge [sflag:s22], s20  }
0x9f: {  	s4 =	ssub.s32 $0x0, s20;
	[sflag:s22] =	ssyncset.done $0x0  }
0xa0: {  	[sflag:s22] =	ssyncadd.s32 s4;
	_ =	sdelay $0x1  }
0xa1: {  	s23 =	simm.s32 $0x1B8B  }
0xa2: {  	_ =	swait.ge [sflag:s23], $0x1  }
0xa3: {  	[sflag:s23] =	ssyncset.done $0x0  }
0xa4: {  	s25 =	simm.s32 $0x1B8E;
	s24 =	sld [smem:$0x3FFE];
	[sflag:s23] =	ssyncadd.s32 $0xFFFFFFFF  }
0xa5: {  	s26 =	simm.s32 $execute0_lowered;
	[smem:$0x3FD2] =	sst s25  }
0xa6: {  	s5 =	sshll.u32 s26, $0x1;
	_ =	strace $0x80000046;
	[dreg:$0x1] =	wrdreg $0xFFFFFFFF  }
0xa7: {  	s28 =	simm.s32 $_size_execute0_lowered;
	s3 =	sadd.s32 s3, s5;
	[dreg:$0x0] =	wrdreg $0x0  }
0xa8: {  	s5 =	sshll.u32 s28, $0x1;
	[dreg:$0x2] =	wrdreg s3  }
0xa9: {  	[dreg:$0x3] =	wrdreg s5  }
0xaa: {  	[dreg:$0x4] =	wrdreg $0xC0  }
0xab: {  	_ =	task [dreg:s7], $0x5FFFF  }
0xac: {  	[dreg:$0x1] =	wrdreg $0xFFFFFFFF  }
0xad: {  	[dreg:$0x0] =	wrdreg $0x60  }
0xae: {  	[dreg:$0x2] =	wrdreg s24  }
0xaf: {  	[dreg:$0x3] =	wrdreg s2  }
0xb0: {  	[dreg:$0x4] =	wrdreg $0x9  }
0xb1: {  	_ =	task.clear_ibuf [dreg:s7], $0x5FFFF;
	_ =	strace $0x90000046  }
0xb2: {  	s29 =	simm.s32 $0x9;
	_ =	strace $0x80000048  }
0xb3: {  	_ =	swait.ge [sflag:s29], $0x1  }
0xb4: {  	[sflag:s29] =	ssyncadd.s32 $0xFFFFFFFF  }
0xb5: {  	_ =	strace $0x90000048  }
0xb6: {  	_ =	sfence  }
0xb7: {  	s30 =	sld [smem:$0x0];
	_ =	sdelay $0x2  }
0xb8: {  	s31 =	sshll.u32 s1, $0xD;
	s1 =	sshrl.u32 s1, $0x2  }
0xb9: {  	s3 =	sand.u32 $0x4000, s31;
	s1 =	sadd.s32 s1, s30  }
0xba: {  	s0 =	sor.u32 s3, s0;
	s1 =	sshll.u32 s1, $0x11  }
0xbb: {  	s0 =	sor.u32 s1, s0  }
0xbc: {  	s0 =	sadd.s32 $0x8F2B, s0  }
0xbd: {  	[sflag:s0] =	ssyncadd.remote.s32 $0x1  }
0xbe: {  	_ =	sfence.sel $0xFFFF  }
0xbf: {  	[dreg:$0x0] =	wrdreg $0xFFFFFFFF;
	(pc) =	sbr.abs _section_cstart, $3  }
0xc0: {  	[dreg:$0x1] =	wrdreg $0xFFFFFFFF  }
0xc1: {  	_ =	task.clear_ibuf [dreg:s7], $0x2FFFF;
	_ =	strace $0x9FFFFFFF  }
0xc2: {  	(tm) =	ssettm $0x7FFFFFFF  }
0xc3: {  	_ =	shalt  }
tec
execute0_lowered:
.L_overlay_start_1:
0x0: {  	(tag) =	ssettag $0x1  }
0x1: {  	s0 =	rddreg [dreg:$0x0]  }
0x2: {  	s2 =	rddreg [dreg:$0x1]  }
0x3: {  	s1 =	srdreg.scid;
	s13 =	stileid.u32;
	s3 =	simm.s32 $0x0  }
0x4: {  	s14 =	simm.s32 $0x1;
	s15 =	simm.s32 $0x6;
	s16 =	simm.s32 $0x200  }
0x5: {  	s17 =	simm.s32 $0x2000;
	s18 =	simm.s32 $0x4;
	s23 =	smul.u32 $0x640000, s13  }
0x6: {  	s19 =	simm.s32 $0xA000;
	s20 =	simm.s32 $0x7;
	s10 =	smul.u32 $0x32000, s13  }
0x7: {  	s1 =	sand.u32 $0x1, s1;
	s4 =	sshll.u32 s13, $0x1;
	s13 =	smul.u32 $0xC8000, s13  }
0x8: {  	s21 =	simm.s32 $0x6000;
	s28 =	simm.s32 $0x9;
	s11 =	smul.u32 $0x19000, s1  }
0x9: {  	[smem:$0x7FF] =	sst s3;
	s5 =	sor.u32 s1, s4;
	s12 =	smul.u32 $0x320000, s1  }
0xa: {  	_ =	strace $0x80000047;
	s6 =	ssub.s32 $0x2, s1;
	s1 =	smul.u32 $0x64000, s1  }
0xb: {  	s29 =	simm.s32 $0x0;
	s4 =	sadd.s32 $0xFA6C00, s0;
	s7 =	smul.u32 $0x19000, s5  }
0xc: {  	s8 =	sshrl.u32 s6, $0x1;
	s9 =	smul.u32 $0x320000, s5;
	s5 =	sadd.s32 $0x800, s0  }
0xd: {  	s22 =	ssub.s32 s6, s8;
	s26 =	sadd.s32 s11, s10;
	s6 =	sadd.s32 s12, s23  }
0xe: {  	s13 =	sadd.s32 s1, s13;
	s23 =	simm.s32 $0xE000;
	s24 =	sshrl.u32 s7, $0x3  }
0xf: {  	s9 =	sshrl.u32 s9, $0x3;
	s7 =	sadd.s32 $0x1000, s7;
	s0 =	smax.u32 s22, $0x1  }
0x10: {  	s30 =	sshrl.u32 s6, $0x3;
	s22 =	simm.s32 $0x5;
	s8 =	sadd.s32 s5, s24  }
.Ltmp0:
0x11: {  	s25 =	sadd.s32 s2, s9;
	[dreg:$0x6] =	wrdreg s0;
	(pc) =	sbr.rel .LBB2_1-.Ltmp0, $4  }
0x12: {  	s11 =	sadd.s32 s30, s2;
	[dreg:$0x3] =	wrdreg s8;
	s8 =	sadd.s32 $0x63800, s25  }
0x13: {  	s24 =	simm.s32 $0x8;
	[dreg:$0x5] =	wrdreg s8;
	s8 =	sshll.u32 s26, $0x2  }
0x14: {  	s9 =	sadd.s32 $0x63000, s25;
	s25 =	simm.s32 $0x2;
	s31 =	sadd.s32 s8, s2  }
0x15: {  	[dreg:$0x4] =	wrdreg s9;
	s26 =	simm.s32 $0x3;
	s12 =	sadd.s32 $0x800, s31  }
.LBB2_8:
0x16: {  	_ =	swait.ge [sflag:s18], $0x4000  }
0x17: {  	[sflag:s18] =	ssyncset.done $0x0  }
0x18: {  	s0 =	rddreg [dreg:$0x4];
	[sflag:s18] =	ssyncadd.s32 $0xFFFFC000  }
0x19: {  	[hbm4b:s0+s3] =	stream.linear.scatter [tilespmem:s19], [sflag:$0x8], $0x4000, $0x38;
	[tilespmem:$0x12000] =	vst v63  }
0x1a: {  	_ =	swait.ge [sflag:s22], $0x4000  }
0x1b: {  	[sflag:s22] =	ssyncset.done $0x0  }
0x1c: {  	s30 =	rddreg [dreg:$0x5];
	[sflag:s22] =	ssyncadd.s32 $0xFFFFC000  }
0x1d: {  	[hbm4b:s30+s3] =	stream.linear.scatter [tilespmem:s23], [sflag:$0x9], $0x4000, $0x38;
	[tilespmem:$0x12000] =	vst v63  }
0x1e: {  	_ =	swait.ge [sflag:s15], $0x4000  }
0x1f: {  	[sflag:s15] =	ssyncset.done $0x0  }
0x20: {  	[sflag:s15] =	ssyncadd.s32 $0xFFFFC000  }
0x21: {  	_ =	swait.ge [sflag:s20], $0x4000  }
0x22: {  	[sflag:s20] =	ssyncset.done $0x0  }
0x23: {  	[sflag:s20] =	ssyncadd.s32 $0xFFFFC000  }
0x24: {  	_ =	swait.ge [sflag:s24], $0x4000  }
0x25: {  	[sflag:s24] =	ssyncset.done $0x0  }
0x26: {  	[sflag:s24] =	ssyncadd.s32 $0xFFFFC000  }
0x27: {  	_ =	swait.ge [sflag:s28], $0x4000  }
0x28: {  	s29 =	sadd.s32 $0x1, s29;
	s31 =	rddreg [dreg:$0x6]  }
0x29: {  	p0 =	sne.s32 s29, s31  }
.Ltmp1:
0x2a: {  	_ = 	snop;
	(pc) =	sbr.rel @!p0 .LBB2_9-.Ltmp1, $3  }
0x2b: {  	_ =	sdelay $0x1  }
0x2c: {  	[sflag:s28] =	ssyncset.done $0x0  }
0x2d: {  	[sflag:s28] =	ssyncadd.s32 $0xFFFFC000  }
.LBB2_1:
.Ltmp2:
0x2e: {  	s0 =	rddreg [dreg:$0x3];
	(pc) =	sbr.rel .LBB2_2-.Ltmp2, $4  }
0x2f: {  	[tilespmem:s3], [sflag:$0x1] =	stream.linear.gather [hbm4b:s0+s3], $0x1000, $0x38;
	[tilespmem:$0x12000] =	vst v63  }
0x30: {  	_ =	swait.ge [sflag:s14], $0x1000  }
0x31: {  	[sflag:s14] =	ssyncset.done $0x0  }
0x32: {  	s30 =	simm.s32 $0x0;
	s31 =	simm.s32 $0x0;
	[sflag:s14] =	ssyncadd.s32 $0xFFFFF000  }
.LBB2_3:
0x33: {  	_ =	swait.ge [sflag:s14], $0x1000  }
0x34: {  	[sflag:s14] =	ssyncset.done $0x0  }
0x35: {  	[sflag:s14] =	ssyncadd.s32 $0xFFFFF000  }
.LBB2_4:
0x36: {  	_ =	swait.ge [sflag:s15], $0x4000;
	s6 =	sshll.u32 s1, $0xC  }
0x37: {  	s10 =	sshll.u32 s0, $0xB;
	[sflag:s15] =	ssyncset.done $0x0;
	s8 =	sand.u32 $0x1000, s6  }
0x38: {  	s9 =	sadd.s32 s30, s13;
	[sflag:s15] =	ssyncadd.s32 $0xFFFFC000;
	s6 =	sor.u32 s10, s8  }
0x39: {  	[tilespmem:s17], [sflag:$0x2] =	stream.indirect.gather [hbm4b:s4+s16], $0x20, s6, s16, $0xb8;
	[tilespmem:$0x12000] =	vst v63  }
0x3a: {  	s10 =	sadd.s32 $0x1FFFF000, s9;
	_ =	swait.ge [sflag:s18], $0x4000  }
0x3b: {  	s10 =	sand.u32 $0x1FFFF000, s10;
	[sflag:s18] =	ssyncset.done $0x0  }
0x3c: {  	s10 =	sadd.s32 s2, s10;
	[sflag:s18] =	ssyncadd.s32 $0xFFFFC000  }
0x3d: {  	[hbm4b:s10+s3] =	stream.linear.scatter [tilespmem:s19], [sflag:$0x8], $0x4000, $0x38;
	[tilespmem:$0x12000] =	vst v63  }
0x3e: {  	_ =	swait.ge [sflag:s20], $0x4000  }
0x3f: {  	[sflag:s20] =	ssyncset.done $0x0  }
0x40: {  	s10 =	sor.u32 $0x200, s6;
	[sflag:s20] =	ssyncadd.s32 $0xFFFFC000  }
0x41: {  	[tilespmem:s21], [sflag:$0x3] =	stream.indirect.gather [hbm4b:s4+s16], $0x20, s10, s16, $0xb8;
	[tilespmem:$0x12000] =	vst v63  }
0x42: {  	s9 =	sadd.s32 $0x1FFFF800, s9;
	_ =	swait.ge [sflag:s22], $0x4000  }
0x43: {  	s9 =	sand.u32 $0x1FFFF800, s9;
	[sflag:s22] =	ssyncset.done $0x0  }
0x44: {  	s9 =	sadd.s32 s2, s9;
	[sflag:s22] =	ssyncadd.s32 $0xFFFFC000  }
0x45: {  	[hbm4b:s9+s3] =	stream.linear.scatter [tilespmem:s23], [sflag:$0x9], $0x4000, $0x38;
	[tilespmem:$0x12000] =	vst v63  }
0x46: {  	_ =	swait.ge [sflag:s24], $0x4000  }
0x47: {  	[sflag:s24] =	ssyncset.done $0x0  }
0x48: {  	p0 =	por $0x0, $0x0;
	s8 =	sxor.u32 $0x1000, s8;
	[sflag:s24] =	ssyncadd.s32 $0xFFFFC000  }
.LBB2_7:
0x49: {  	s9 =	sadd.s32 $0x400, s6;
	p1 =	sgt.u32 s31, $0x2F  }
0x4a: {  	[tilespmem:s19], [sflag:$0x4] =	stream.indirect.gather [hbm4b:s4+s16], $0x20, s9, s16, $0xb8;
	[tilespmem:$0x12000] =	vst v63  }
0x4b: {  	p2 =	sne.s32 @!p1 s0, $0x0  }
0x4c: {  	p1 =	por p2, p1  }
0x4d: {  	s0 =	sshll.u32 @!p1 s1, $0xC  }
0x4e: {  	s0 =	sadd.s32 @!p1 s0, s7  }
0x4f: {  	s0 =	sshrl.u32 @!p1 s0, $0x3  }
0x50: {  	s1 =	simm.s32 @!p1 $0x0;
	s0 =	sadd.s32 @!p1 s5, s0  }
0x51: {  	[tilespmem:s8], [sflag:$0x1] =	stream.linear.gather @!p1 [hbm4b:s0+s1], $0x1000, $0x38;
	[tilespmem:$0x12000] =	vst v63  }
0x52: {  	_ =	swait.ge [sflag:s25], $0x4000  }
0x53: {  	[sflag:s25] =	ssyncset.done $0x0  }
0x54: {  	s8 =	sadd.s32 s30, s11;
	s0 =	simm.s32 @!p0 $0x9;
	[sflag:s25] =	ssyncadd.s32 $0xFFFFC000  }
0x55: {  	[hbm4b:s8+s3] =	stream.linear.scatter [tilespmem:s17], [sflag:$0x6], $0x4000, $0x38;
	[tilespmem:$0x12000] =	vst v63  }
0x56: {  	_ =	swait.ge @!p0 [sflag:s0], $0x4000  }
0x57: {  	s10 =	sadd.s32 s30, s12;
	s30 =	sadd.s32 $0x2000, s30;
	[sflag:s0] =	ssyncset.done @!p0 $0x0  }
0x58: {  	s9 =	sadd.s32 $0x600, s6;
	[sflag:s0] =	ssyncadd.s32 @!p0 $0xFFFFC000;
	p0 =	sne.s32 s30, $0x64000  }
0x59: {  	[tilespmem:s23], [sflag:$0x5] =	stream.indirect.gather [hbm4b:s4+s16], $0x20, s9, s16, $0xb8;
	[tilespmem:$0x12000] =	vst v63  }
.Ltmp3:
0x5a: {  	_ = 	snop;
	(pc) =	sbr.rel @!p0 .LBB2_8-.Ltmp3, $4  }
0x5b: {  	_ =	swait.ge [sflag:s26], $0x4000  }
0x5c: {  	[sflag:s26] =	ssyncset.done $0x0  }
0x5d: {  	s31 =	sadd.s32 $0x1, s31;
	[sflag:s26] =	ssyncadd.s32 $0xFFFFC000  }
0x5e: {  	[hbm4b:s10+s3] =	stream.linear.scatter [tilespmem:s21], [sflag:$0x7], $0x4000, $0x38;
	[tilespmem:$0x12000] =	vst v63  }
.LBB2_2:
0x5f: {  	p0 =	seq.s32 s30, $0x0;
	s0 =	sand.u32 $0x1, s31  }
0x60: {  	p1 =	sne.s32 @!p0 s0, $0x0  }
0x61: {  	p0 =	por p0, p1  }
.Ltmp4:
0x62: {  	_ = 	snop;
	(pc) =	sbr.rel @!p0 .LBB2_3-.Ltmp4, $2  }
0x63: {  	_ =	sdelay $0x2  }
0x64: {  	s1 =	sshrl.u32 s31, $0x1  }
0x65: {  	p0 =	sne.s32 s30, $0x0  }
.Ltmp5:
0x66: {  	_ = 	snop;
	(pc) =	sbr.rel @p0 .LBB2_4-.Ltmp5, $1  }
0x67: {  	_ =	sdelay $0x3  }
.Ltmp6:
0x68: {  	(pc) =	sbr.rel .LBB2_7-.Ltmp6, $4  }
0x69: {  	s6 =	simm.s32 $0x0  }
0x6a: {  	[tilespmem:s17], [sflag:$0x2] =	stream.indirect.gather [hbm4b:s4+s16], $0x20, s6, s16, $0xb8;
	[tilespmem:$0x12000] =	vst v63  }
0x6b: {  	s8 =	simm.s32 $0x1000;
	p0 =	por $0x1, $0x1  }
0x6c: {  	[tilespmem:s21], [sflag:$0x3] =	stream.indirect.gather [hbm4b:s4+s16], $0x20, s16, s16, $0xb8;
	[tilespmem:$0x12000] =	vst v63  }
.LBB2_9:
0x6d: {  	_ =	sfence.sel $0x180000  }
0x6e: {  	[bflag:$0x0] =	sbarrier.arrive $0xFFFF  }
0x6f: {  	_ =	strace $0x90000047  }
0x70: {  	s0 =	stileid.u32;
	[bflag:$0x2] =	sbarrier.arrive $0xFFFF  }
0x71: {  	p0 =	sne.s32 s0, $0x0;
	s0 =	rddreg [dreg:$0x2]  }
0x72: {  	s0 =	sadd.s32 @!p0 $0x100000, s0  }
0x73: {  	[sflag:s0] =	ssyncadd.tile.s32 @!p0 $0x1;
	_ =	shalt  }
.Lfunc_end2:
_tile_overlayer_lowered:
.L_overlay_start_2:
0x74: {  	(tag) =	ssettag $0x2  }
0x75: {  	s0 =	rddreg [dreg:$0x0];
	s2 =	stileid.u32  }
0x76: {  	s1 =	rddreg [dreg:$0x1];
	p0 =	sne.s32 s2, $0x0  }
0x77: {  	s3 =	rddreg [dreg:$0x2];
	[bflag:$0x3] =	sbarrier.arrive $0xFFFF;
	s2 =	simm.s32 @!p0 $0x1C0A  }
0x78: {  	[timem:s3], [sflag:s2] =	dma.local @!p0 [hbm:s0], s1  }
0x79: {  	s0 =	simm.s32 @!p0 $0xA  }
0x7a: {  	_ =	swait.ge @!p0 [sflag:s0], s1  }
0x7b: {  	s1 =	ssub.s32 @!p0 $0x0, s1;
	[sflag:s0] =	ssyncset.done @!p0 $0x0  }
0x7c: {  	[sflag:s0] =	ssyncadd.s32 @!p0 s1  }
0x7d: {  	[bflag:$0x3] =	sbarrier.arrive $0xFFFF  }
0x7e: {  	_ =	shalt  }

// kernel: sparse-core-data-format-call.cloned.1.call-start
scs
called_computation_lowered:
.L_overlay_start_0:
0x0: {  	s2 =	sld [smem:$0x3FD9]  }
0x1: {  	s3 =	sld [smem:$0x3FFE];
	_ =	sdelay $0x1  }
0x2: {  	s1 =	srdreg.scid  }
0x3: {  	s0 =	sand.u32 $0x1, s1  }
0x4: {  	s18 =	sshll.u32 s0, $0xA;
	s2 =	sadd.s32 s3, s2  }
0x5: {  	s2 =	sadd.s32 s2, s18  }
0x6: {  	[smem:$0x3FC6] =	sst s2  }
0x7: {  	_ = 	snop  }
0x8: {  	s2 =	sld [smem:$0x3FD0];
	(tm) =	ssettm $0x1  }
0x9: {  	s19 =	sld [smem:$0x3FFB];
	_ =	sdelay $0x3  }
0xa: {  	_ =	strace s19  }
0xb: {  	s3 =	sld [smem:$0x3FFC];
	_ =	sdelay $0x3  }
0xc: {  	_ =	strace s3  }
0xd: {  	s3 =	sld [smem:$0x3FFD];
	_ =	sdelay $0x3  }
0xe: {  	_ =	strace s3  }
0xf: {  	_ =	strace $0x8FFFFFFF  }
0x10: {  	s20 =	sld [smem:$0x3FDB];
	_ =	sdelay $0x1  }
0x11: {  	s4 =	simm.s32 $_scs_section_size  }
0x12: {  	s5 =	simm.s32 $_size__tile_overlayer_lowered;
	s6 =	simm.s32 $_tile_overlayer_lowered  }
0x13: {  	s23 =	simm.s32 $0x1BFF;
	s22 =	sshll.u32 s6, $0x1;
	s3 =	sadd.s32 s4, s20  }
0x14: {  	s7 =	simm.s32 $0x0;
	s21 =	sshll.u32 s5, $0x1;
	s5 =	sadd.s32 s22, s3  }
0x15: {  	[timem:s7], [sflag:s23] =	dma.local [hbm:s5], s21  }
0x16: {  	_ =	swait.ge [sflag:s23], s21  }
0x17: {  	s4 =	ssub.s32 $0x0, s21;
	[sflag:s23] =	ssyncset.done $0x0  }
0x18: {  	[sflag:s23] =	ssyncadd.s32 s4;
	_ =	sdelay $0x1  }
0x19: {  	s24 =	simm.s32 $0x1B8B  }
0x1a: {  	_ =	swait.ge [sflag:s24], $0x1  }
0x1b: {  	[sflag:s24] =	ssyncset.done $0x0  }
0x1c: {  	s26 =	simm.s32 $0x1B8E;
	s25 =	sld [smem:$0x3FFE];
	[sflag:s24] =	ssyncadd.s32 $0xFFFFFFFF  }
0x1d: {  	s27 =	simm.s32 $execute0_lowered;
	[smem:$0x3FD2] =	sst s26  }
0x1e: {  	s5 =	sshll.u32 s27, $0x1;
	_ =	strace $0x80000049;
	[dreg:$0x1] =	wrdreg $0xFFFFFFFF  }
0x1f: {  	s28 =	simm.s32 $_size_execute0_lowered;
	s3 =	sadd.s32 s3, s5;
	[dreg:$0x0] =	wrdreg $0x0  }
0x20: {  	s5 =	sshll.u32 s28, $0x1;
	[dreg:$0x2] =	wrdreg s3  }
0x21: {  	[dreg:$0x3] =	wrdreg s5  }
0x22: {  	[dreg:$0x4] =	wrdreg $0xC0  }
0x23: {  	_ =	task [dreg:s7], $0x5FFFF  }
0x24: {  	[dreg:$0x1] =	wrdreg $0xFFFFFFFF  }
0x25: {  	[dreg:$0x0] =	wrdreg $0x60  }
0x26: {  	[dreg:$0x2] =	wrdreg s25  }
0x27: {  	[dreg:$0x3] =	wrdreg s2  }
0x28: {  	[dreg:$0x4] =	wrdreg $0x9  }
0x29: {  	_ =	task.clear_ibuf [dreg:s7], $0x5FFFF;
	_ =	strace $0x90000049  }
0x2a: {  	s29 =	simm.s32 $0x9;
	_ =	strace $0x8000004B  }
0x2b: {  	_ =	swait.ge [sflag:s29], $0x1  }
0x2c: {  	[sflag:s29] =	ssyncadd.s32 $0xFFFFFFFF  }
0x2d: {  	_ =	strace $0x9000004B  }
0x2e: {  	_ =	sfence  }
0x2f: {  	s30 =	sld [smem:$0x0];
	_ =	sdelay $0x2  }
0x30: {  	s31 =	sshll.u32 s1, $0xD;
	s1 =	sshrl.u32 s1, $0x2  }
0x31: {  	s3 =	sand.u32 $0x4000, s31;
	s1 =	sadd.s32 s1, s30  }
0x32: {  	s0 =	sor.u32 s3, s0;
	s1 =	sshll.u32 s1, $0x11  }
0x33: {  	s0 =	sor.u32 s1, s0  }
0x34: {  	s0 =	sadd.s32 $0x8F2B, s0  }
0x35: {  	[sflag:s0] =	ssyncadd.remote.s32 $0x1  }
0x36: {  	_ =	sfence.sel $0xFFFF  }
0x37: {  	[dreg:$0x0] =	wrdreg $0xFFFFFFFF;
	(pc) =	sbr.abs _section_cstart, $3  }
0x38: {  	[dreg:$0x1] =	wrdreg $0xFFFFFFFF  }
0x39: {  	_ =	task.clear_ibuf [dreg:s7], $0x2FFFF;
	_ =	strace $0x9FFFFFFF  }
0x3a: {  	(tm) =	ssettm $0x7FFFFFFF  }
0x3b: {  	_ =	shalt  }
tec
execute0_lowered:
.L_overlay_start_1:
0x0: {  	(tag) =	ssettag $0x1  }
0x1: {  	s0 =	srdreg.scid  }
0x2: {  	s1 =	sshll.u32 s0, $0x4  }
0x3: {  	s0 =	stileid.u32;
	s1 =	sand.u32 $0x10, s1  }
0x4: {  	s1 =	sor.u32 s0, s1  }
0x5: {  	s6 =	rddreg [dreg:$0x0];
	s4 =	simm.s32 $0x1;
	s2 =	sshll.u32 s1, $0x7  }
0x6: {  	s7 =	simm.s32 $0x2;
	s12 =	simm.s32 $0x0;
	s1 =	ssub.s32 $0x4000, s2  }
0x7: {  	s8 =	simm.s32 $0x20000;
	s13 =	simm.s32 $0x0;
	s3 =	sand.u32 $0xF80, s1  }
0x8: {  	s9 =	simm.s32 $0x0;
	s5 =	sshrl.u32 s1, $0xC;
	p0 =	sne.s32 s3, $0x0  }
.Ltmp0:
0x9: {  	s1 =	rddreg [dreg:$0x2];
	s4 =	simm.s32 @!p0 $0x0;
	(pc) =	sbr.rel .LBB1_1-.Ltmp0, $4  }
0xa: {  	s11 =	simm.s32 $0x0;
	s3 =	rddreg [dreg:$0x1];
	s5 =	sadd.s32 s4, s5  }
0xb: {  	_ =	strace $0x8000004A;
	s4 =	simm.s32 $0x1;
	s5 =	smul.u32 $0xC8, s5  }
0xc: {  	s6 =	sadd.s32 $0x800, s6;
	s10 =	smov.u32 s2;
	[sflag:s4] =	ssyncpa.u1 $0x0  }
0xd: {  	p0 =	por $0x0, $0x0;
	[sflag:s7] =	ssyncpa.u1 $0x0;
	s7 =	sor.u32 $0x1, s5  }
.LBB1_4:
0xe: {  	s16 =	sshll.u32 s13, $0x3;
	s17 =	sand.u32 $0x78, s13  }
0xf: {  	s30 =	sand.u32 $0xF800, s13;
	s12 =	sshll.u32 s12, $0x10;
	s16 =	sand.u32 $0x3C00, s16  }
0x10: {  	s31 =	sand.u32 $0x7, s13;
	s16 =	sor.u32 s17, s16;
	s17 =	sadd.s32 s3, s30  }
0x11: {  	s13 =	sshll.u32 s31, $0x12;
	s16 =	sshrl.u32 s16, $0x3;
	s12 =	sadd.s32 s12, s17  }
0x12: {  	[tilespmem:s15+$0x0 ss:$0x81] =	vst.msk $0xffff, v0;
	s13 =	sor.u32 $0x400, s13;
	s12 =	sadd.s32 s16, s12  }
0x13: {  	[hbm4b:s12+s13] =	stream.strided.scatter [tilespmem:s14], [sflag:$0x2], $0x1000, s8, s13, $0x20;
	[tilespmem:$0x4040] =	vst v63  }
.LBB1_5:
0x14: {  	s14 =	sadd.s32 $0x1, s9  }
0x15: {  	s12 =	sadd.s32 $0x1000, s10;
	s16 =	smov.u32 s10;
	p2 =	sgt.s32 s14, $0xC7  }
0x16: {  	s16 =	smov.u32 @p2 s12  }
0x17: {  	s14 =	simm.s32 @p2 $0x0;
	p2 =	sgt.s32 s16, $0x3FFF  }
0x18: {  	s16 =	smov.u32 @p2 s2;
	p2 =	sne.s32 s11, s7  }
.Ltmp1:
0x19: {  	p1 =	slt.u32 s11, $0x2;
	(pc) =	sbr.rel @!p2 .LBB1_6-.Ltmp1, $4  }
0x1a: {  	s15 =	simm.s32 @!p1 $0x2  }
0x1b: {  	s13 =	smov.u32 s10;
	p0 =	por !p0, !p0;
	_ =	swait.ge @!p1 [sflag:s15], $0x1000  }
0x1c: {  	s12 =	smov.u32 s9;
	[sflag:s15] =	ssyncset.done @!p1 $0x0;
	s9 =	smov.u32 s14  }
0x1d: {  	s11 =	sadd.s32 $0x1, s11;
	[sflag:s15] =	ssyncadd.s32 @!p1 $0xFFFFF000;
	s10 =	smov.u32 s16  }
.LBB1_1:
0x1e: {  	p1 =	sge.u32 s11, s5  }
0x1f: {  	s14 =	sand.u32 @!p1 $0x1FFFFFF, s9  }
0x20: {  	s15 =	smulhi.u32 @!p1 $0x147AE15, s14;
	_ =	sdelay $0x1  }
0x21: {  	s15 =	smul.u32 @!p1 $0xC8, s15  }
0x22: {  	s16 =	sxor.u32 @!p1 $0xFFFFFFFF, s11;
	s17 =	smul.u32 @!p1 $0xC80, s10  }
0x23: {  	s31 =	sadd.s32 $0xFFFFFFFF, s11;
	s16 =	sshll.u32 @!p1 s16, $0xC;
	s14 =	ssub.s32 @!p1 s14, s15  }
0x24: {  	s15 =	sand.u32 @!p1 $0x1000, s16;
	s16 =	sadd.s32 @!p1 s6, s17;
	s14 =	sshll.u32 @!p1 s14, $0x4  }
0x25: {  	s17 =	simm.s32 @!p1 $0x6400;
	s14 =	sadd.s32 @!p1 s14, s16;
	s16 =	simm.s32 @!p1 $0x20  }
0x26: {  	[tilespmem:s15], [sflag:$0x1] =	stream.strided.gather @!p1 [hbm4b:s14+s16], $0x1000, s17, s16, $0x38;
	[tilespmem:$0x4040] =	vst v63  }
0x27: {  	p1 =	sge.u32 s31, s5  }
.Ltmp2:
0x28: {  	_ = 	snop;
	(pc) =	sbr.rel @p1 .LBB1_5-.Ltmp2, $1  }
0x29: {  	_ =	sdelay $0x3  }
0x2a: {  	s14 =	simm.s32 $0x1  }
0x2b: {  	_ =	swait.ge [sflag:s4], $0x1000;
	s14 =	simm.s32 @!p0 $0x0  }
0x2c: {  	[sflag:s4] =	ssyncset.done $0x0;
	s15 =	sshll.u32 s14, $0xC  }
0x2d: {  	[sflag:s4] =	ssyncadd.s32 $0xFFFFF000;
	s18 =	sor.u32 $0x10, s15  }
0x2e: {  	s14 =	smul.u32 $0x4080, s14;
	v1 =	vld [tilespmem:s18+$0x0]  }
0x2f: {  	s30 =	sand.u32 $0x1, s11;
	v0 =	vld [tilespmem:s18+$0xFFFFFFF0]  }
0x30: {  	s15 =	smul.u32 $0x4080, s30;
	s14 =	sshrl.u32 s14, $0x2  }
0x31: {  	s16 =	sor.u32 $0x2000, s14  }
0x32: {  	s31 =	sshrl.u32 s15, $0x2;
	s15 =	sadd.s32 $0x0, s16  }
0x33: {  	s17 =	simm.s32 $0x4;
	s18 =	sadd.s32 $0x20, s18;
	s14 =	sor.u32 $0x2000, s31;
	[tilespmem:s15+$0x810 ss:$0x81] =	vst.msk $0xffff, v1  }
.LBB1_3:
0x34: {  	v1 =	vld [tilespmem:s18+$0x0];
	p1 =	sne.s32 s17, $0x1FC;
	[tilespmem:s15+$0x0 ss:$0x81] =	vst.msk $0xffff, v0;
	s15 =	smov.u32 s17;
	s17 =	sadd.s32 $0x4, s17  }
.Ltmp3:
0x35: {  	v0 =	vld [tilespmem:s18+$0xFFFFFFF0];
	(pc) =	sbr.rel @p1 .LBB1_3-.Ltmp3, $4  }
0x36: {  	_ = 	snop  }
0x37: {  	s15 =	sshra.s32 s15, $0x2  }
0x38: {  	s15 =	sadd.s32 s15, s16  }
0x39: {  	s18 =	sadd.s32 $0x20, s18;
	[tilespmem:s15+$0x810 ss:$0x81] =	vst.msk $0xffff, v1  }
.Ltmp4:
0x3a: {  	_ = 	snop;
	(pc) =	sbr.rel .LBB1_4-.Ltmp4, $1  }
0x3b: {  	_ =	sdelay $0x3  }
.LBB1_6:
0x3c: {  	_ =	sfence.sel $0x180000  }
0x3d: {  	s2 =	simm.s32 $0x1;
	[bflag:$0x0] =	sbarrier.arrive $0xFFFF  }
0x3e: {  	s31 =	simm.s32 $0x2;
	[sflag:s2] =	ssyncpa.u1 $0x1  }
0x3f: {  	[sflag:s31] =	ssyncpa.u1 $0x1  }
0x40: {  	p0 =	sne.s32 s0, $0x0;
	_ =	strace $0x9000004A  }
0x41: {  	s0 =	sadd.s32 @!p0 $0x100000, s1;
	[bflag:$0x2] =	sbarrier.arrive $0xFFFF  }
0x42: {  	[sflag:s0] =	ssyncadd.tile.s32 @!p0 $0x1;
	_ =	shalt  }
.Lfunc_end1:
_tile_overlayer_lowered:
.L_overlay_start_2:
0x43: {  	(tag) =	ssettag $0x2  }
0x44: {  	s0 =	rddreg [dreg:$0x0];
	s2 =	stileid.u32  }
0x45: {  	s1 =	rddreg [dreg:$0x1];
	p0 =	sne.s32 s2, $0x0  }
0x46: {  	s3 =	rddreg [dreg:$0x2];
	[bflag:$0x3] =	sbarrier.arrive $0xFFFF;
	s2 =	simm.s32 @!p0 $0x1C01  }
0x47: {  	[timem:s3], [sflag:s2] =	dma.local @!p0 [hbm:s0], s1  }
0x48: {  	s0 =	simm.s32 @!p0 $0x1  }
0x49: {  	_ =	swait.ge @!p0 [sflag:s0], s1  }
0x4a: {  	s1 =	ssub.s32 @!p0 $0x0, s1;
	[sflag:s0] =	ssyncset.done @!p0 $0x0  }
0x4b: {  	[sflag:s0] =	ssyncadd.s32 @!p0 s1  }
0x4c: {  	[bflag:$0x3] =	sbarrier.arrive $0xFFFF  }
0x4d: {  	_ =	shalt  }

</sc_bundles>
